<compile_context>
chip_gen: v7x
topology: tpu7x:2x2x1
jax: 0.10.2.dev20260603
libtpu: 0.0.44.dev20260713+nightly
codegen_flags: <defaults>
</compile_context>

<pallas_src>
import functools

import jax
import jax.numpy as jnp
import numpy as np
from jax.experimental import pallas as pl
import jax.experimental.pallas.tpu as pltpu
from jax.experimental.pallas import tpu_sc as plsc

_N = 10000
_NP = 10240
_NS = 2500
_NSP = 2560
_F = 128
_TQ = 256
_C = 5120
_NB = _NP // _C
_R2 = 1.0

_HI = jax.lax.Precision.HIGHEST



def _proj_body(x_ref, wr_ref, wo_ref, xr_ref, xo_ref):
    xb = x_ref[...]
    xr_ref[...] = jnp.dot(xb, wr_ref[...], preferred_element_type=jnp.float32,
                          precision=_HI).astype(jnp.bfloat16)
    xo_ref[...] = jnp.dot(xb, wo_ref[...], preferred_element_type=jnp.float32,
                          precision=_HI)


def _proj(xP, W_rel, W_root):
    blk = 512
    return pl.pallas_call(
        _proj_body,
        grid=(_NP // blk,),
        in_specs=[
            pl.BlockSpec((blk, _F), lambda i: (i, 0)),
            pl.BlockSpec((_F, _F), lambda i: (0, 0)),
            pl.BlockSpec((_F, _F), lambda i: (0, 0)),
        ],
        out_specs=[
            pl.BlockSpec((blk, _F), lambda i: (i, 0)),
            pl.BlockSpec((blk, _F), lambda i: (i, 0)),
        ],
        out_shape=[
            jax.ShapeDtypeStruct((_NP, _F), jnp.bfloat16),
            jax.ShapeDtypeStruct((_NP, _F), jnp.float32),
        ],
    )(xP, W_rel, W_root)



def _sc_gather(xo, idxS):
    info = plsc.get_sparse_core_info()
    nw = info.num_cores * info.num_subcores
    bpw = _NSP // nw
    mesh = plsc.VectorSubcoreMesh(core_axis_name="c", subcore_axis_name="s")

    @functools.partial(
        pl.kernel, mesh=mesh,
        out_type=jax.ShapeDtypeStruct((_NSP, _F), jnp.float32),
        scratch_types=[
            pltpu.VMEM((bpw,), jnp.int32),
            pltpu.VMEM((bpw, _F), jnp.float32),
            pltpu.SemaphoreType.DMA,
        ],
    )
    def k(table_hbm, idx_hbm, out_hbm, idx_v, rows_v, sem):
        wid = (jax.lax.axis_index("s") * info.num_cores
               + jax.lax.axis_index("c"))
        base = wid * bpw
        pltpu.sync_copy(idx_hbm.at[pl.ds(base, bpw)], idx_v)
        pltpu.async_copy(table_hbm.at[idx_v], rows_v, sem).wait()
        pltpu.sync_copy(rows_v, out_hbm.at[pl.ds(base, bpw)])

    return k(xo, idxS)



_FR, _FC = 8, _NP // 8


def _fps_body(px_ref, py_ref, pz_ref, psx_ref, psy_ref, psz_ref,
              idx_ref, qx_ref, qy_ref, qz_ref):
    rows = jax.lax.broadcasted_iota(jnp.int32, (_FR, _FC), 0)
    cols = jax.lax.broadcasted_iota(jnp.int32, (_FR, _FC), 1)
    lin = rows * _FC + cols
    flin = lin.astype(jnp.float32)
    real = lin < _N
    dist0 = jnp.where(real, jnp.inf, -jnp.inf).astype(jnp.float32)

    idx_ref[0] = jnp.int32(0)
    sx, sy, sz = psx_ref[0], psy_ref[0], psz_ref[0]
    qx_ref[0] = sx
    qy_ref[0] = sy
    qz_ref[0] = sz

    def body(i, state):
        dist, sx, sy, sz = state
        dx = px_ref[...] - sx
        dy = py_ref[...] - sy
        dz = pz_ref[...] - sz
        d = (dx * dx + dy * dy) + dz * dz
        dist = jnp.minimum(dist, d)
        m = jnp.max(dist, axis=(0, 1), keepdims=True)
        nxt = jnp.min(jnp.where(dist == m, flin, jnp.float32(3e7))
                      ).astype(jnp.int32)
        sx, sy, sz = psx_ref[nxt], psy_ref[nxt], psz_ref[nxt]
        idx_ref[i] = nxt
        qx_ref[i] = sx
        qy_ref[i] = sy
        qz_ref[i] = sz
        return dist, sx, sy, sz

    jax.lax.fori_loop(1, _NS, body, (dist0, sx, sy, sz))


def _fps(px, py, pz, psx, psy, psz):
    sm = functools.partial(pl.BlockSpec, memory_space=pltpu.SMEM)
    return pl.pallas_call(
        _fps_body,
        in_specs=[pl.BlockSpec((_FR, _FC), lambda: (0, 0))] * 3 + [sm()] * 3,
        out_specs=[sm(), sm(), sm(), sm()],
        out_shape=[
            jax.ShapeDtypeStruct((_NS,), jnp.int32),
            jax.ShapeDtypeStruct((_NS,), jnp.float32),
            jax.ShapeDtypeStruct((_NS,), jnp.float32),
            jax.ShapeDtypeStruct((_NS,), jnp.float32),
        ],
    )(px, py, pz, psx, psy, psz)



_CS = 128


def _conv_body(qpos_ref, posT_ref, xr_ref, b_ref, L_ref,
               out_ref, agg_ref, carry_ref, cmin_ref):
    b = pl.program_id(1)

    @pl.when(b == 0)
    def _init():
        agg_ref[...] = jnp.zeros_like(agg_ref)
        carry_ref[...] = jnp.zeros_like(carry_ref)
        cmin_ref[0, 0] = 0.0

    @pl.when(cmin_ref[0, 0] < 32.0)
    def _aggregate():
        q = qpos_ref[...]
        p = posT_ref[...]
        q2 = jnp.sum(q * q, axis=1, keepdims=True)
        p2 = jnp.sum(p * p, axis=0, keepdims=True)
        qp = jnp.dot(q.astype(jnp.bfloat16), p.astype(jnp.bfloat16),
                     preferred_element_type=jnp.float32)
        d2 = (q2 + p2) - 2.0 * qp
        mf = (d2 <= _R2).astype(jnp.float32)

        carry = carry_ref[...]
        parts = []
        run = carry
        for s in range(_C // _CS):
            mfs = mf[:, s * _CS:(s + 1) * _CS]
            excl = jnp.dot(mfs, L_ref[...], preferred_element_type=jnp.float32)
            parts.append(mfs * (run + excl < 32.0).astype(jnp.float32))
            run = run + jnp.sum(mfs, axis=1, keepdims=True)
        A = jnp.concatenate(parts, axis=1).astype(jnp.bfloat16)

        agg_ref[...] += jnp.dot(A, xr_ref[...],
                                preferred_element_type=jnp.float32)
        carry_ref[...] = run
        cmin_ref[0, 0] = jnp.min(run)

    @pl.when(b == _NB - 1)
    def _fin():
        cnt = jnp.minimum(carry_ref[...], 32.0)
        den = jnp.maximum(cnt, 1.0)
        out_ref[...] = agg_ref[...] / den + b_ref[...]


def _conv(qposP, posT8, xr, bias, L):
    return pl.pallas_call(
        _conv_body,
        grid=(_NSP // _TQ, _NB),
        in_specs=[
            pl.BlockSpec((_TQ, 8), lambda t, b: (t, 0)),
            pl.BlockSpec((8, _C), lambda t, b: (0, b)),
            pl.BlockSpec((_C, _F), lambda t, b: (b, 0)),
            pl.BlockSpec((1, _F), lambda t, b: (0, 0)),
            pl.BlockSpec((_CS, _CS), lambda t, b: (0, 0)),
        ],
        out_specs=pl.BlockSpec((_TQ, _F), lambda t, b: (t, 0)),
        out_shape=jax.ShapeDtypeStruct((_NSP, _F), jnp.float32),
        scratch_shapes=[
            pltpu.VMEM((_TQ, _F), jnp.float32),
            pltpu.VMEM((_TQ, 1), jnp.float32),
            pltpu.SMEM((1, 1), jnp.float32),
        ],
    )(qposP, posT8, xr, bias, L)



def kernel(x, pos, batch, W_rel, b_rel, W_root):
    posP = jnp.pad(pos, ((0, _NP - _N), (0, 0)))
    px = posP[:, 0].reshape(_FR, _FC)
    py = posP[:, 1].reshape(_FR, _FC)
    pz = posP[:, 2].reshape(_FR, _FC)

    xP = jnp.pad(x, ((0, _NP - _N), (0, 0)))
    xr, xo = _proj(xP, W_rel, W_root)

    idx, qx, qy, qz = _fps(px, py, pz, posP[:, 0], posP[:, 1], posP[:, 2])
    qpos = jnp.stack([qx, qy, qz], axis=1)

    posT8 = jnp.zeros((8, _NP), jnp.float32)
    posT8 = posT8.at[:3, :].set(posP.T)
    posT8 = posT8.at[0, _N:].set(1e4)

    qposP = jnp.zeros((_NSP, 8), jnp.float32).at[:_NS, :3].set(qpos)
    idxS = jnp.zeros((_NSP,), jnp.int32).at[:_NS].set(idx)

    L = (jnp.arange(_CS, dtype=jnp.int32)[:, None]
         < jnp.arange(_CS, dtype=jnp.int32)[None, :]).astype(jnp.float32)
    bias = b_rel.reshape(1, _F)

    xsel = _sc_gather(xo, idxS)
    outP = _conv(qposP, posT8, xr, bias, L)
    x_out = (outP + xsel)[:_NS]
    qbatch = batch[idx]
    return (x_out, qpos, qbatch, idx)

# --- scband reference (transcript-rebuilt; emitter-appended) ---
"""Pipeline reference for scband-samodule-18691697672883 (READ-ONLY COPY).

The authoritative reference and input builder live on the scoring server;
editing this copy changes nothing except your own understanding.
"""

import jax, jax.numpy as jnp
import numpy as np

N_NODES = 10000
N_IN = 128
N_OUT = 128
RATIO = 0.25
RADIUS = 1.0
MAX_K = 32
N_SAMPLE = int(np.ceil(RATIO * N_NODES))


def fps_single(pos, n_sample):
    # farthest point sampling, single batch, deterministic start at node 0 (eval mode)
    N = pos.shape[0]

    def body(i, state):
        dist, idxs, last = state
        d = jnp.sum((pos - pos[last]) ** 2, axis=1)
        dist = jnp.minimum(dist, d)
        nxt = jnp.argmax(dist).astype(jnp.int32)
        idxs = idxs.at[i].set(nxt)
        return (dist, idxs, nxt)

    dist0 = jnp.full((N,), jnp.inf, dtype=jnp.float32)
    idxs0 = jnp.zeros((n_sample,), dtype=jnp.int32)
    _, idxs, _ = jax.lax.fori_loop(1, n_sample, body, (dist0, idxs0, jnp.int32(0)))
    return idxs


def radius_neighbors(pos, qpos, batch, qbatch, r, K):
    # for each query, up to K neighbors (by ascending node index) within radius r, same batch
    p2 = jnp.sum(pos ** 2, axis=1)
    q2 = jnp.sum(qpos ** 2, axis=1)
    d2 = q2[:, None] + p2[None, :] - 2.0 * (qpos @ pos.T)
    mask = (d2 <= r * r) & (qbatch[:, None] == batch[None, :])
    N = pos.shape[0]
    score = mask.astype(jnp.float32) - jnp.arange(N, dtype=jnp.float32)[None, :] / (N + 1.0)
    topv, nbr = jax.lax.top_k(score, K)
    valid = topv > 0.0
    return nbr, valid


def setup_inputs(seed: int = 0):
    key = jax.random.key(seed)
    ks = jax.random.split(key, 5)
    x = jax.random.normal(ks[0], (N_NODES, N_IN), dtype=jnp.float32)
    pos = jax.random.normal(ks[1], (N_NODES, 3), dtype=jnp.float32)
    batch = jnp.zeros((N_NODES,), dtype=jnp.int32)
    W_rel = jax.random.normal(ks[2], (N_IN, N_OUT), dtype=jnp.float32) * (1.0 / np.sqrt(N_IN))
    b_rel = jnp.zeros((N_OUT,), dtype=jnp.float32)
    W_root = jax.random.normal(ks[3], (N_IN, N_OUT), dtype=jnp.float32) * (1.0 / np.sqrt(N_IN))
    return {"x": x, "pos": pos, "batch": batch, "W_rel": W_rel, "b_rel": b_rel, "W_root": W_root}


def reference(x, pos, batch, W_rel, b_rel, W_root):
    # eval mode: fps random_start=False, e_dropout/v_dropout inactive, norm=None
    idx = fps_single(pos, N_SAMPLE)
    qpos = pos[idx]
    qbatch = batch[idx]
    nbr, valid = radius_neighbors(pos, qpos, batch, qbatch, RADIUS, MAX_K)
    # GraphConv branch: row = idx[row]; edge_index = stack([col, row]) (src=col, dst=row global)
    row_global = jnp.broadcast_to(idx[:, None], (N_SAMPLE, MAX_K)).reshape(-1)
    col = nbr.reshape(-1)
    vf = valid.astype(jnp.float32).reshape(-1)
    # GraphConv(aggr='mean'): out = lin_rel(mean_j x_j) + lin_root(x_i)
    msg = x[col] * vf[:, None]
    agg = jnp.zeros((N_NODES, N_IN), dtype=jnp.float32).at[row_global].add(msg)
    cnt = jnp.zeros((N_NODES,), dtype=jnp.float32).at[row_global].add(vf)
    mean_agg = agg / jnp.clip(cnt, 1.0, None)[:, None]
    out_full = mean_agg @ W_rel + b_rel[None, :] + x @ W_root
    x_out = out_full[idx]
    return (x_out, qpos, qbatch, idx)

if __name__ == "__main__":
    import jax
    _d = setup_inputs()
    print(jax.jit(kernel)(*tuple(_d.values())))

</pallas_src>

<mosaic_0001>
#map = affine_map<(d0, d1) -> (0, 0)>
#map1 = affine_map<(d0, d1) -> (0)>
module attributes {stable_mosaic.version = 14 : i64} {
  func.func @k(%arg0: i32, %arg1: i32, %arg2: memref<10240x128xf32, #tpu.memory_space<hbm>>, %arg3: memref<2560xi32, #tpu.memory_space<hbm>>, %arg4: memref<2560x128xf32, #tpu.memory_space<hbm>>, %arg5: memref<80xi32, #tpu.memory_space<vmem>>, %arg6: memref<80x128xf32, #tpu.memory_space<vmem>>, %arg7: memref<!tpu.dma_semaphore, #tpu.memory_space<semaphore_mem>>) attributes {dimension_semantics = [#tpu.dimension_semantics<core_parallel>, #tpu.dimension_semantics<subcore_parallel>], iteration_bounds = array<i64: 2, 16>, scalar_prefetch = 0 : i64, scratch_operands = 3 : i64, tpu.core_type = #tpu.core_type<sc_vector_subcore>, window_params = [{transform_indices = #map}, {transform_indices = #map1}, {transform_indices = #map}]} {
    %mul3A = arith.constant 2 : i32
    %mul3A_0 = arith.muli %arg1, %mul3A : i32
    %add3A = arith.addi %mul3A_0, %arg0 : i32
    %mul3A_1 = arith.constant 80 : i32
    %mul3A_2 = arith.muli %add3A, %mul3A_1 : i32
    "tpu.region"() ({
      %run_scoped3A = tpu.sem_alloc : memref<!tpu.dma_semaphore, #tpu.memory_space<semaphore_mem>>
      %dma_start3A_7 = tpu.memref_slice %arg3[%mul3A_2] : memref<2560xi32, #tpu.memory_space<hbm>> -> memref<80xi32, #tpu.memory_space<hbm>>
      %dma_start3A_8 = tpu.memref_slice %arg3[%mul3A_2] : memref<2560xi32, #tpu.memory_space<hbm>> -> memref<80xi32, #tpu.memory_space<hbm>>
      tpu.enqueue_dma source(%dma_start3A_8 : memref<80xi32, #tpu.memory_space<hbm>>) target(%arg5 : memref<80xi32, #tpu.memory_space<vmem>>) target_semaphore(%run_scoped3A : memref<!tpu.dma_semaphore, #tpu.memory_space<semaphore_mem>>)
      %dma_wait3A_9 = tpu.memref_slice %arg3[%mul3A_2] : memref<2560xi32, #tpu.memory_space<hbm>> -> memref<80xi32, #tpu.memory_space<hbm>>
      %dma_wait3A_10 = tpu.memref_slice %arg3[%mul3A_2] : memref<2560xi32, #tpu.memory_space<hbm>> -> memref<80xi32, #tpu.memory_space<hbm>>
      tpu.wait_dma2 semaphore(%run_scoped3A : memref<!tpu.dma_semaphore, #tpu.memory_space<semaphore_mem>>) src(%dma_wait3A_10 : memref<80xi32, #tpu.memory_space<hbm>>) dst(%arg5 : memref<80xi32, #tpu.memory_space<vmem>>)
      tpu.yield
    }) : () -> ()
    %dma_start3A = arith.constant 0 : i32
    %dma_start3A_3 = arith.constant 0 : i32
    %dma_start3A_4 = tpu.memref_slice %arg2[%dma_start3A, %dma_start3A_3] : memref<10240x128xf32, #tpu.memory_space<hbm>> -> memref<10240x128xf32, #tpu.memory_space<hbm>>
    tpu.enqueue_indirect_dma source(%dma_start3A_4 : memref<10240x128xf32, #tpu.memory_space<hbm>>) target(%arg6 : memref<80x128xf32, #tpu.memory_space<vmem>>) offsets(%arg5 : memref<80xi32, #tpu.memory_space<vmem>>) semaphore(%arg7 : memref<!tpu.dma_semaphore, #tpu.memory_space<semaphore_mem>>)
    %dma_wait3A = arith.constant 0 : i32
    %dma_wait3A_5 = arith.constant 0 : i32
    %dma_wait3A_6 = tpu.memref_slice %arg2[%dma_wait3A, %dma_wait3A_5] : memref<10240x128xf32, #tpu.memory_space<hbm>> -> memref<10240x128xf32, #tpu.memory_space<hbm>>
    tpu.wait_indirect_dma semaphore(%arg7 : memref<!tpu.dma_semaphore, #tpu.memory_space<semaphore_mem>>) src(%dma_wait3A_6 : memref<10240x128xf32, #tpu.memory_space<hbm>>) dst(%arg6 : memref<80x128xf32, #tpu.memory_space<vmem>>)
    "tpu.region"() ({
      %run_scoped3A = tpu.sem_alloc : memref<!tpu.dma_semaphore, #tpu.memory_space<semaphore_mem>>
      %dma_start3A_7 = arith.constant 0 : i32
      %dma_start3A_8 = tpu.memref_slice %arg4[%mul3A_2, %dma_start3A_7] : memref<2560x128xf32, #tpu.memory_space<hbm>> -> memref<80x128xf32, #tpu.memory_space<hbm>>
      %dma_start3A_9 = arith.constant 0 : i32
      %dma_start3A_10 = tpu.memref_slice %arg4[%mul3A_2, %dma_start3A_9] : memref<2560x128xf32, #tpu.memory_space<hbm>> -> memref<80x128xf32, #tpu.memory_space<hbm>>
      tpu.enqueue_dma source(%arg6 : memref<80x128xf32, #tpu.memory_space<vmem>>) target(%dma_start3A_10 : memref<80x128xf32, #tpu.memory_space<hbm>>) target_semaphore(%run_scoped3A : memref<!tpu.dma_semaphore, #tpu.memory_space<semaphore_mem>>)
      %dma_wait3A_11 = arith.constant 0 : i32
      %dma_wait3A_12 = tpu.memref_slice %arg4[%mul3A_2, %dma_wait3A_11] : memref<2560x128xf32, #tpu.memory_space<hbm>> -> memref<80x128xf32, #tpu.memory_space<hbm>>
      %dma_wait3A_13 = arith.constant 0 : i32
      %dma_wait3A_14 = tpu.memref_slice %arg4[%mul3A_2, %dma_wait3A_13] : memref<2560x128xf32, #tpu.memory_space<hbm>> -> memref<80x128xf32, #tpu.memory_space<hbm>>
      tpu.wait_dma2 semaphore(%run_scoped3A : memref<!tpu.dma_semaphore, #tpu.memory_space<semaphore_mem>>) src(%arg6 : memref<80x128xf32, #tpu.memory_space<vmem>>) dst(%dma_wait3A_14 : memref<80x128xf32, #tpu.memory_space<hbm>>)
      tpu.yield
    }) : () -> ()
    return
  }
}

module attributes {stable_mosaic.version = 14 : i64} {
  func.func @_fps_body(%arg0: memref<8x1280xf32, #tpu.memory_space<vmem>>, %arg1: memref<8x1280xf32, #tpu.memory_space<vmem>>, %arg2: memref<8x1280xf32, #tpu.memory_space<vmem>>, %arg3: memref<10240xf32, #tpu.memory_space<smem>>, %arg4: memref<10240xf32, #tpu.memory_space<smem>>, %arg5: memref<10240xf32, #tpu.memory_space<smem>>, %arg6: memref<2500xi32, #tpu.memory_space<smem>>, %arg7: memref<2500xf32, #tpu.memory_space<smem>>, %arg8: memref<2500xf32, #tpu.memory_space<smem>>, %arg9: memref<2500xf32, #tpu.memory_space<smem>>) attributes {dimension_semantics = [], scalar_prefetch = 0 : i64, scratch_operands = 0 : i64, tpu.core_type = #tpu.core_type<tc>} {
    %iota3A = tpu.iota {dimensions = array<i32: 0>} : vector<8x1280xi32>
    %iota3A_0 = tpu.iota {dimensions = array<i32: 1>} : vector<8x1280xi32>
    %mul3A = arith.constant 1280 : i32
    %mul3A_1 = vector.broadcast %mul3A : i32 to vector<8x1280xi32>
    %mul3A_2 = arith.muli %iota3A, %mul3A_1 : vector<8x1280xi32>
    %add3A = arith.addi %mul3A_2, %iota3A_0 : vector<8x1280xi32>
    %convert_element_type3A = arith.sitofp %add3A : vector<8x1280xi32> to vector<8x1280xf32>
    %lt3A = arith.constant 10000 : i32
    %lt3A_3 = vector.broadcast %lt3A : i32 to vector<8x1280xi32>
    %lt3A_4 = arith.cmpi slt, %add3A, %lt3A_3 : vector<8x1280xi32>
    %jit3A = arith.constant 0x7F800000 : f32
    %jit3A_5 = arith.constant 0xFF800000 : f32
    %broadcast_in_dim3A = vector.broadcast %jit3A : f32 to vector<8x1280xf32>
    %broadcast_in_dim3A_6 = vector.broadcast %jit3A_5 : f32 to vector<8x1280xf32>
    %select_n3A = arith.select %lt3A_4, %broadcast_in_dim3A, %broadcast_in_dim3A_6 : vector<8x1280xi1>, vector<8x1280xf32>
    %swap3A = arith.constant 0 : i32
    %swap3A_7 = arith.constant 0 : index
    %swap3A_8 = memref.load %arg6[%swap3A_7] : memref<2500xi32, #tpu.memory_space<smem>>
    memref.store %swap3A, %arg6[%swap3A_7] : memref<2500xi32, #tpu.memory_space<smem>>
    %get3A = arith.constant 0 : index
    %get3A_9 = memref.load %arg3[%get3A] : memref<10240xf32, #tpu.memory_space<smem>>
    %get3A_10 = arith.constant 0 : index
    %get3A_11 = memref.load %arg4[%get3A_10] : memref<10240xf32, #tpu.memory_space<smem>>
    %get3A_12 = arith.constant 0 : index
    %get3A_13 = memref.load %arg5[%get3A_12] : memref<10240xf32, #tpu.memory_space<smem>>
    %swap3A_14 = arith.constant 0 : index
    %swap3A_15 = memref.load %arg7[%swap3A_14] : memref<2500xf32, #tpu.memory_space<smem>>
    memref.store %get3A_9, %arg7[%swap3A_14] : memref<2500xf32, #tpu.memory_space<smem>>
    %swap3A_16 = arith.constant 0 : index
    %swap3A_17 = memref.load %arg8[%swap3A_16] : memref<2500xf32, #tpu.memory_space<smem>>
    memref.store %get3A_11, %arg8[%swap3A_16] : memref<2500xf32, #tpu.memory_space<smem>>
    %swap3A_18 = arith.constant 0 : index
    %swap3A_19 = memref.load %arg9[%swap3A_18] : memref<2500xf32, #tpu.memory_space<smem>>
    memref.store %get3A_13, %arg9[%swap3A_18] : memref<2500xf32, #tpu.memory_space<smem>>
    %scan3A = arith.constant 1 : i32
    %scan3A_20 = arith.constant 2499 : i32
    %scan3A_21 = arith.addi %scan3A, %scan3A_20 : i32
    %scan3A_22 = arith.constant 1 : i32
    %scan3A_23:4 = scf.for %scan3A_25 = %scan3A to %scan3A_21 step %scan3A_22 iter_args(%scan3A_26 = %select_n3A, %scan3A_27 = %get3A_9, %scan3A_28 = %get3A_11, %scan3A_29 = %get3A_13) -> (vector<8x1280xf32>, f32, f32, f32)  : i32 {
      %get3A_30 = arith.constant 0 : index
      %get3A_31 = arith.constant 0 : index
      %get3A_32 = vector.load %arg0[%get3A_30, %get3A_31] : memref<8x1280xf32, #tpu.memory_space<vmem>>, vector<8x1280xf32>
      %sub3A = vector.broadcast %scan3A_27 : f32 to vector<8x1280xf32>
      %sub3A_33 = arith.subf %get3A_32, %sub3A : vector<8x1280xf32>
      %get3A_34 = arith.constant 0 : index
      %get3A_35 = arith.constant 0 : index
      %get3A_36 = vector.load %arg1[%get3A_34, %get3A_35] : memref<8x1280xf32, #tpu.memory_space<vmem>>, vector<8x1280xf32>
      %sub3A_37 = vector.broadcast %scan3A_28 : f32 to vector<8x1280xf32>
      %sub3A_38 = arith.subf %get3A_36, %sub3A_37 : vector<8x1280xf32>
      %get3A_39 = arith.constant 0 : index
      %get3A_40 = arith.constant 0 : index
      %get3A_41 = vector.load %arg2[%get3A_39, %get3A_40] : memref<8x1280xf32, #tpu.memory_space<vmem>>, vector<8x1280xf32>
      %sub3A_42 = vector.broadcast %scan3A_29 : f32 to vector<8x1280xf32>
      %sub3A_43 = arith.subf %get3A_41, %sub3A_42 : vector<8x1280xf32>
      %mul3A_44 = arith.mulf %sub3A_33, %sub3A_33 : vector<8x1280xf32>
      %mul3A_45 = arith.mulf %sub3A_38, %sub3A_38 : vector<8x1280xf32>
      %add3A_46 = arith.addf %mul3A_44, %mul3A_45 : vector<8x1280xf32>
      %mul3A_47 = arith.mulf %sub3A_43, %sub3A_43 : vector<8x1280xf32>
      %add3A_48 = arith.addf %add3A_46, %mul3A_47 : vector<8x1280xf32>
      %min3A = arith.minimumf %scan3A_26, %add3A_48 : vector<8x1280xf32>
      %reduce_max3A = vector.shape_cast %min3A : vector<8x1280xf32> to vector<1x8x1280xf32>
      %reduce_max3A_49 = arith.constant dense<0xFF800000> : vector<1xf32>
      %reduce_max3A_50 = vector.multi_reduction <maximumf>, %reduce_max3A, %reduce_max3A_49 [1, 2] : vector<1x8x1280xf32> to vector<1xf32>
      %reduce_max3A_51 = vector.shape_cast %reduce_max3A_50 : vector<1xf32> to vector<1x1x1xf32>
      %reduce_max3A_52 = vector.extract %reduce_max3A_51[0, 0, 0] : f32 from vector<1x1x1xf32>
      %broadcast_in_dim3A_53 = vector.broadcast %reduce_max3A_52 : f32 to vector<1x1xf32>
      %eq3A = vector.broadcast %broadcast_in_dim3A_53 : vector<1x1xf32> to vector<8x1280xf32>
      %eq3A_54 = arith.cmpf oeq, %min3A, %eq3A : vector<8x1280xf32>
      %jit3A_55 = arith.constant 3.000000e+07 : f32
      %broadcast_in_dim3A_56 = vector.broadcast %jit3A_55 : f32 to vector<8x1280xf32>
      %select_n3A_57 = arith.select %eq3A_54, %convert_element_type3A, %broadcast_in_dim3A_56 : vector<8x1280xi1>, vector<8x1280xf32>
      %reduce_min3A = vector.shape_cast %select_n3A_57 : vector<8x1280xf32> to vector<1x8x1280xf32>
      %reduce_min3A_58 = arith.constant dense<0x7F800000> : vector<1xf32>
      %reduce_min3A_59 = vector.multi_reduction <minimumf>, %reduce_min3A, %reduce_min3A_58 [1, 2] : vector<1x8x1280xf32> to vector<1xf32>
      %reduce_min3A_60 = vector.shape_cast %reduce_min3A_59 : vector<1xf32> to vector<1x1x1xf32>
      %reduce_min3A_61 = vector.extract %reduce_min3A_60[0, 0, 0] : f32 from vector<1x1x1xf32>
      %convert_element_type3A_62 = arith.fptosi %reduce_min3A_61 : f32 to i32
      %get3A_63 = arith.index_cast %convert_element_type3A_62 : i32 to index
      %get3A_64 = memref.load %arg3[%get3A_63] : memref<10240xf32, #tpu.memory_space<smem>>
      %get3A_65 = arith.index_cast %convert_element_type3A_62 : i32 to index
      %get3A_66 = memref.load %arg4[%get3A_65] : memref<10240xf32, #tpu.memory_space<smem>>
      %get3A_67 = arith.index_cast %convert_element_type3A_62 : i32 to index
      %get3A_68 = memref.load %arg5[%get3A_67] : memref<10240xf32, #tpu.memory_space<smem>>
      %swap3A_69 = arith.index_cast %scan3A_25 : i32 to index
      %swap3A_70 = memref.load %arg6[%swap3A_69] : memref<2500xi32, #tpu.memory_space<smem>>
      memref.store %convert_element_type3A_62, %arg6[%swap3A_69] : memref<2500xi32, #tpu.memory_space<smem>>
      %swap3A_71 = arith.index_cast %scan3A_25 : i32 to index
      %swap3A_72 = memref.load %arg7[%swap3A_71] : memref<2500xf32, #tpu.memory_space<smem>>
      memref.store %get3A_64, %arg7[%swap3A_71] : memref<2500xf32, #tpu.memory_space<smem>>
      %swap3A_73 = arith.index_cast %scan3A_25 : i32 to index
      %swap3A_74 = memref.load %arg8[%swap3A_73] : memref<2500xf32, #tpu.memory_space<smem>>
      memref.store %get3A_66, %arg8[%swap3A_73] : memref<2500xf32, #tpu.memory_space<smem>>
      %swap3A_75 = arith.index_cast %scan3A_25 : i32 to index
      %swap3A_76 = memref.load %arg9[%swap3A_75] : memref<2500xf32, #tpu.memory_space<smem>>
      memref.store %get3A_68, %arg9[%swap3A_75] : memref<2500xf32, #tpu.memory_space<smem>>
      scf.yield %min3A, %get3A_64, %get3A_66, %get3A_68 : vector<8x1280xf32>, f32, f32, f32
    }
    %scan3A_24 = arith.constant 2499 : i32
    return
  }
}

module attributes {stable_mosaic.version = 14 : i64} {
  func.func @_proj_body(%arg0: i32, %arg1: memref<512x128xf32, #tpu.memory_space<vmem>>, %arg2: memref<128x128xf32, #tpu.memory_space<vmem>>, %arg3: memref<128x128xf32, #tpu.memory_space<vmem>>, %arg4: memref<512x128xbf16, #tpu.memory_space<vmem>>, %arg5: memref<512x128xf32, #tpu.memory_space<vmem>>) attributes {dimension_semantics = [#tpu.dimension_semantics<arbitrary>], iteration_bounds = array<i64: 20>, scalar_prefetch = 0 : i64, scratch_operands = 0 : i64, tpu.core_type = #tpu.core_type<tc>, window_params = [{transform_indices = @transform_0, window_bounds = array<i64: 512, 128>}, {pipeline_mode = #tpu.pipeline_mode<synchronous>, transform_indices = @transform_1, window_bounds = array<i64: 128, 128>}, {pipeline_mode = #tpu.pipeline_mode<synchronous>, transform_indices = @transform_2, window_bounds = array<i64: 128, 128>}, {transform_indices = @transform_3, window_bounds = array<i64: 512, 128>}, {transform_indices = @transform_4, window_bounds = array<i64: 512, 128>}]} {
    %get3A = arith.constant 0 : index
    %get3A_0 = arith.constant 0 : index
    %get3A_1 = vector.load %arg1[%get3A, %get3A_0] : memref<512x128xf32, #tpu.memory_space<vmem>>, vector<512x128xf32>
    %get3A_2 = arith.constant 0 : index
    %get3A_3 = arith.constant 0 : index
    %get3A_4 = vector.load %arg2[%get3A_2, %get3A_3] : memref<128x128xf32, #tpu.memory_space<vmem>>, vector<128x128xf32>
    %dot_general3A = arith.constant dense<0.000000e+00> : vector<512x128xf32>
    %dot_general3A_5 = tpu.matmul %get3A_1, %get3A_4, %dot_general3A {dimension_numbers = #tpu.dot_dimension_numbers<[1], [0], [0], [1], [0, 0, 1, 1], [], []>, precision = #tpu.contract_precision<fp32>, transpose_lhs_hint = false} : vector<512x128xf32>, vector<128x128xf32>, vector<512x128xf32> -> vector<512x128xf32>
    %convert_element_type3A = arith.truncf %dot_general3A_5 : vector<512x128xf32> to vector<512x128xbf16>
    %swap3A = arith.constant 0 : index
    %swap3A_6 = arith.constant 0 : index
    %swap3A_7 = vector.load %arg4[%swap3A, %swap3A_6] : memref<512x128xbf16, #tpu.memory_space<vmem>>, vector<512x128xbf16>
    tpu.vector_store %arg4[%swap3A, %swap3A_6], %convert_element_type3A {strides = array<i32>} : memref<512x128xbf16, #tpu.memory_space<vmem>>, vector<512x128xbf16>,
    %get3A_8 = arith.constant 0 : index
    %get3A_9 = arith.constant 0 : index
    %get3A_10 = vector.load %arg3[%get3A_8, %get3A_9] : memref<128x128xf32, #tpu.memory_space<vmem>>, vector<128x128xf32>
    %dot_general3A_11 = arith.constant dense<0.000000e+00> : vector<512x128xf32>
    %dot_general3A_12 = tpu.matmul %get3A_1, %get3A_10, %dot_general3A_11 {dimension_numbers = #tpu.dot_dimension_numbers<[1], [0], [0], [1], [0, 0, 1, 1], [], []>, precision = #tpu.contract_precision<fp32>, transpose_lhs_hint = false} : vector<512x128xf32>, vector<128x128xf32>, vector<512x128xf32> -> vector<512x128xf32>
    %swap3A_13 = arith.constant 0 : index
    %swap3A_14 = arith.constant 0 : index
    %swap3A_15 = vector.load %arg5[%swap3A_13, %swap3A_14] : memref<512x128xf32, #tpu.memory_space<vmem>>, vector<512x128xf32>
    tpu.vector_store %arg5[%swap3A_13, %swap3A_14], %dot_general3A_12 {strides = array<i32>} : memref<512x128xf32, #tpu.memory_space<vmem>>, vector<512x128xf32>,
    return
  }
  func.func @transform_0(%arg0: i32) -> (i32, i32) {
    %c0_i32 = arith.constant 0 : i32
    %c0_i32_0 = arith.constant 0 : i32
    return %arg0, %c0_i32 : i32, i32
  }
  func.func @transform_1(%arg0: i32) -> (i32, i32) {
    %c0_i32 = arith.constant 0 : i32
    %c0_i32_0 = arith.constant 0 : i32
    %c0_i32_1 = arith.constant 0 : i32
    return %c0_i32, %c0_i32_0 : i32, i32
  }
  func.func @transform_2(%arg0: i32) -> (i32, i32) {
    %c0_i32 = arith.constant 0 : i32
    %c0_i32_0 = arith.constant 0 : i32
    %c0_i32_1 = arith.constant 0 : i32
    return %c0_i32, %c0_i32_0 : i32, i32
  }
  func.func @transform_3(%arg0: i32) -> (i32, i32) {
    %c0_i32 = arith.constant 0 : i32
    %c0_i32_0 = arith.constant 0 : i32
    return %arg0, %c0_i32 : i32, i32
  }
  func.func @transform_4(%arg0: i32) -> (i32, i32) {
    %c0_i32 = arith.constant 0 : i32
    %c0_i32_0 = arith.constant 0 : i32
    return %arg0, %c0_i32 : i32, i32
  }
}

module attributes {stable_mosaic.version = 14 : i64} {
  func.func @_conv_body(%arg0: i32, %arg1: i32, %arg2: memref<256x8xf32, #tpu.memory_space<vmem>>, %arg3: memref<8x5120xf32, #tpu.memory_space<vmem>>, %arg4: memref<5120x128xbf16, #tpu.memory_space<vmem>>, %arg5: memref<1x128xf32, #tpu.memory_space<vmem>>, %arg6: memref<128x128xf32, #tpu.memory_space<vmem>>, %arg7: memref<256x128xf32, #tpu.memory_space<vmem>>, %arg8: memref<256x128xf32, #tpu.memory_space<vmem>>, %arg9: memref<256x1xf32, #tpu.memory_space<vmem>>, %arg10: memref<1x1xf32, #tpu.memory_space<smem>>) attributes {dimension_semantics = [#tpu.dimension_semantics<arbitrary>, #tpu.dimension_semantics<arbitrary>], iteration_bounds = array<i64: 10, 2>, scalar_prefetch = 0 : i64, scratch_operands = 3 : i64, tpu.core_type = #tpu.core_type<tc>, window_params = [{transform_indices = @transform_0, window_bounds = array<i64: 256, 8>}, {transform_indices = @transform_1, window_bounds = array<i64: 8, 5120>}, {transform_indices = @transform_2, window_bounds = array<i64: 5120, 128>}, {pipeline_mode = #tpu.pipeline_mode<synchronous>, transform_indices = @transform_3, window_bounds = array<i64: 1, 128>}, {pipeline_mode = #tpu.pipeline_mode<synchronous>, transform_indices = @transform_4, window_bounds = array<i64: 128, 128>}, {transform_indices = @transform_5, window_bounds = array<i64: 256, 128>}]} {
    %eq3A = arith.constant 0 : i32
    %eq3A_0 = arith.cmpi eq, %arg1, %eq3A : i32
    %convert_element_type3A = arith.extui %eq3A_0 : i1 to i32
    %cond3A = arith.constant 0 : i32
    %cond3A_1 = arith.cmpi ne, %convert_element_type3A, %cond3A : i32
    scf.if %cond3A_1 {
      %broadcast_in_dim3A = arith.constant 0.000000e+00 : f32
      %broadcast_in_dim3A_13 = vector.broadcast %broadcast_in_dim3A : f32 to vector<256x128xf32>
      %swap3A = arith.constant 0 : index
      %swap3A_14 = arith.constant 0 : index
      %swap3A_15 = vector.load %arg8[%swap3A, %swap3A_14] : memref<256x128xf32, #tpu.memory_space<vmem>>, vector<256x128xf32>
      tpu.vector_store %arg8[%swap3A, %swap3A_14], %broadcast_in_dim3A_13 {strides = array<i32>} : memref<256x128xf32, #tpu.memory_space<vmem>>, vector<256x128xf32>,
      %broadcast_in_dim3A_16 = arith.constant 0.000000e+00 : f32
      %broadcast_in_dim3A_17 = vector.broadcast %broadcast_in_dim3A_16 : f32 to vector<256x1xf32>
      %swap3A_18 = arith.constant 0 : index
      %swap3A_19 = arith.constant 0 : index
      %swap3A_20 = vector.load %arg9[%swap3A_18, %swap3A_19] : memref<256x1xf32, #tpu.memory_space<vmem>>, vector<256x1xf32>
      tpu.vector_store %arg9[%swap3A_18, %swap3A_19], %broadcast_in_dim3A_17 {strides = array<i32>} : memref<256x1xf32, #tpu.memory_space<vmem>>, vector<256x1xf32>,
      %swap3A_21 = arith.constant 0.000000e+00 : f32
      %swap3A_22 = arith.constant 0 : index
      %swap3A_23 = arith.constant 0 : index
      %swap3A_24 = memref.load %arg10[%swap3A_22, %swap3A_23] : memref<1x1xf32, #tpu.memory_space<smem>>
      memref.store %swap3A_21, %arg10[%swap3A_22, %swap3A_23] : memref<1x1xf32, #tpu.memory_space<smem>>
    } else {
    }
    %get3A = arith.constant 0 : index
    %get3A_2 = arith.constant 0 : index
    %get3A_3 = memref.load %arg10[%get3A, %get3A_2] : memref<1x1xf32, #tpu.memory_space<smem>>
    %lt3A = arith.constant 3.200000e+01 : f32
    %lt3A_4 = arith.cmpf olt, %get3A_3, %lt3A : f32
    %convert_element_type3A_5 = arith.extui %lt3A_4 : i1 to i32
    %cond3A_6 = arith.constant 0 : i32
    %cond3A_7 = arith.cmpi ne, %convert_element_type3A_5, %cond3A_6 : i32
    scf.if %cond3A_7 {
      %get3A_13 = arith.constant 0 : index
      %get3A_14 = arith.constant 0 : index
      %get3A_15 = vector.load %arg2[%get3A_13, %get3A_14] : memref<256x8xf32, #tpu.memory_space<vmem>>, vector<256x8xf32>
      %get3A_16 = arith.constant 0 : index
      %get3A_17 = arith.constant 0 : index
      %get3A_18 = vector.load %arg3[%get3A_16, %get3A_17] : memref<8x5120xf32, #tpu.memory_space<vmem>>, vector<8x5120xf32>
      %mul3A = arith.mulf %get3A_15, %get3A_15 : vector<256x8xf32>
      %reduce_sum3A = arith.constant dense<0.000000e+00> : vector<256xf32>
      %reduce_sum3A_19 = vector.multi_reduction <add>, %mul3A, %reduce_sum3A [1] : vector<256x8xf32> to vector<256xf32>
      %broadcast_in_dim3A = vector.shape_cast %reduce_sum3A_19 : vector<256xf32> to vector<256x1xf32>
      %mul3A_20 = arith.mulf %get3A_18, %get3A_18 : vector<8x5120xf32>
      %reduce_sum3A_21 = arith.constant dense<0.000000e+00> : vector<5120xf32>
      %reduce_sum3A_22 = vector.multi_reduction <add>, %mul3A_20, %reduce_sum3A_21 [0] : vector<8x5120xf32> to vector<5120xf32>
      %broadcast_in_dim3A_23 = vector.shape_cast %reduce_sum3A_22 : vector<5120xf32> to vector<1x5120xf32>
      %convert_element_type3A_24 = arith.truncf %get3A_15 : vector<256x8xf32> to vector<256x8xbf16>
      %convert_element_type3A_25 = arith.truncf %get3A_18 : vector<8x5120xf32> to vector<8x5120xbf16>
      %dot_general3A = arith.constant dense<0.000000e+00> : vector<256x5120xf32>
      %dot_general3A_26 = tpu.matmul %convert_element_type3A_24, %convert_element_type3A_25, %dot_general3A {dimension_numbers = #tpu.dot_dimension_numbers<[1], [0], [0], [1], [0, 0, 1, 1], [], []>, transpose_lhs_hint = false} : vector<256x8xbf16>, vector<8x5120xbf16>, vector<256x5120xf32> -> vector<256x5120xf32>
      %add3A = vector.broadcast %broadcast_in_dim3A : vector<256x1xf32> to vector<256x5120xf32>
      %add3A_27 = vector.broadcast %broadcast_in_dim3A_23 : vector<1x5120xf32> to vector<256x5120xf32>
      %add3A_28 = arith.addf %add3A, %add3A_27 : vector<256x5120xf32>
      %mul3A_29 = arith.constant 2.000000e+00 : f32
      %mul3A_30 = vector.broadcast %mul3A_29 : f32 to vector<256x5120xf32>
      %mul3A_31 = arith.mulf %mul3A_30, %dot_general3A_26 : vector<256x5120xf32>
      %sub3A = arith.subf %add3A_28, %mul3A_31 : vector<256x5120xf32>
      %le3A = arith.constant 1.000000e+00 : f32
      %le3A_32 = vector.broadcast %le3A : f32 to vector<256x5120xf32>
      %le3A_33 = arith.cmpf ole, %sub3A, %le3A_32 : vector<256x5120xf32>
      %convert_element_type3A_34 = arith.extui %le3A_33 : vector<256x5120xi1> to vector<256x5120xi32>
      %convert_element_type3A_35 = arith.sitofp %convert_element_type3A_34 : vector<256x5120xi32> to vector<256x5120xf32>
      %get3A_36 = arith.constant 0 : index
      %get3A_37 = arith.constant 0 : index
      %get3A_38 = vector.load %arg9[%get3A_36, %get3A_37] : memref<256x1xf32, #tpu.memory_space<vmem>>, vector<256x1xf32>
      %slice3A = vector.extract_strided_slice %convert_element_type3A_35 {offsets = [0, 0], sizes = [256, 128], strides = [1, 1]} : vector<256x5120xf32> to vector<256x128xf32>
      %get3A_39 = arith.constant 0 : index
      %get3A_40 = arith.constant 0 : index
      %get3A_41 = vector.load %arg6[%get3A_39, %get3A_40] : memref<128x128xf32, #tpu.memory_space<vmem>>, vector<128x128xf32>
      %dot_general3A_42 = arith.constant dense<0.000000e+00> : vector<256x128xf32>
      %dot_general3A_43 = tpu.matmul %slice3A, %get3A_41, %dot_general3A_42 {dimension_numbers = #tpu.dot_dimension_numbers<[1], [0], [0], [1], [0, 0, 1, 1], [], []>, transpose_lhs_hint = false} : vector<256x128xf32>, vector<128x128xf32>, vector<256x128xf32> -> vector<256x128xf32>
      %add3A_44 = vector.broadcast %get3A_38 : vector<256x1xf32> to vector<256x128xf32>
      %add3A_45 = arith.addf %add3A_44, %dot_general3A_43 : vector<256x128xf32>
      %lt3A_46 = arith.constant 3.200000e+01 : f32
      %lt3A_47 = vector.broadcast %lt3A_46 : f32 to vector<256x128xf32>
      %lt3A_48 = arith.cmpf olt, %add3A_45, %lt3A_47 : vector<256x128xf32>
      %convert_element_type3A_49 = arith.extui %lt3A_48 : vector<256x128xi1> to vector<256x128xi32>
      %convert_element_type3A_50 = arith.sitofp %convert_element_type3A_49 : vector<256x128xi32> to vector<256x128xf32>
      %mul3A_51 = arith.mulf %slice3A, %convert_element_type3A_50 : vector<256x128xf32>
      %reduce_sum3A_52 = arith.constant dense<0.000000e+00> : vector<256xf32>
      %reduce_sum3A_53 = vector.multi_reduction <add>, %slice3A, %reduce_sum3A_52 [1] : vector<256x128xf32> to vector<256xf32>
      %broadcast_in_dim3A_54 = vector.shape_cast %reduce_sum3A_53 : vector<256xf32> to vector<256x1xf32>
      %add3A_55 = arith.addf %get3A_38, %broadcast_in_dim3A_54 : vector<256x1xf32>
      %slice3A_56 = vector.extract_strided_slice %convert_element_type3A_35 {offsets = [0, 128], sizes = [256, 128], strides = [1, 1]} : vector<256x5120xf32> to vector<256x128xf32>
      %get3A_57 = arith.constant 0 : index
      %get3A_58 = arith.constant 0 : index
      %get3A_59 = vector.load %arg6[%get3A_57, %get3A_58] : memref<128x128xf32, #tpu.memory_space<vmem>>, vector<128x128xf32>
      %dot_general3A_60 = arith.constant dense<0.000000e+00> : vector<256x128xf32>
      %dot_general3A_61 = tpu.matmul %slice3A_56, %get3A_59, %dot_general3A_60 {dimension_numbers = #tpu.dot_dimension_numbers<[1], [0], [0], [1], [0, 0, 1, 1], [], []>, transpose_lhs_hint = false} : vector<256x128xf32>, vector<128x128xf32>, vector<256x128xf32> -> vector<256x128xf32>
      %add3A_62 = vector.broadcast %add3A_55 : vector<256x1xf32> to vector<256x128xf32>
      %add3A_63 = arith.addf %add3A_62, %dot_general3A_61 : vector<256x128xf32>
      %lt3A_64 = arith.constant 3.200000e+01 : f32
      %lt3A_65 = vector.broadcast %lt3A_64 : f32 to vector<256x128xf32>
      %lt3A_66 = arith.cmpf olt, %add3A_63, %lt3A_65 : vector<256x128xf32>
      %convert_element_type3A_67 = arith.extui %lt3A_66 : vector<256x128xi1> to vector<256x128xi32>
      %convert_element_type3A_68 = arith.sitofp %convert_element_type3A_67 : vector<256x128xi32> to vector<256x128xf32>
      %mul3A_69 = arith.mulf %slice3A_56, %convert_element_type3A_68 : vector<256x128xf32>
      %reduce_sum3A_70 = arith.constant dense<0.000000e+00> : vector<256xf32>
      %reduce_sum3A_71 = vector.multi_reduction <add>, %slice3A_56, %reduce_sum3A_70 [1] : vector<256x128xf32> to vector<256xf32>
      %broadcast_in_dim3A_72 = vector.shape_cast %reduce_sum3A_71 : vector<256xf32> to vector<256x1xf32>
      %add3A_73 = arith.addf %add3A_55, %broadcast_in_dim3A_72 : vector<256x1xf32>
      %slice3A_74 = vector.extract_strided_slice %convert_element_type3A_35 {offsets = [0, 256], sizes = [256, 128], strides = [1, 1]} : vector<256x5120xf32> to vector<256x128xf32>
      %get3A_75 = arith.constant 0 : index
      %get3A_76 = arith.constant 0 : index
      %get3A_77 = vector.load %arg6[%get3A_75, %get3A_76] : memref<128x128xf32, #tpu.memory_space<vmem>>, vector<128x128xf32>
      %dot_general3A_78 = arith.constant dense<0.000000e+00> : vector<256x128xf32>
      %dot_general3A_79 = tpu.matmul %slice3A_74, %get3A_77, %dot_general3A_78 {dimension_numbers = #tpu.dot_dimension_numbers<[1], [0], [0], [1], [0, 0, 1, 1], [], []>, transpose_lhs_hint = false} : vector<256x128xf32>, vector<128x128xf32>, vector<256x128xf32> -> vector<256x128xf32>
      %add3A_80 = vector.broadcast %add3A_73 : vector<256x1xf32> to vector<256x128xf32>
      %add3A_81 = arith.addf %add3A_80, %dot_general3A_79 : vector<256x128xf32>
      %lt3A_82 = arith.constant 3.200000e+01 : f32
      %lt3A_83 = vector.broadcast %lt3A_82 : f32 to vector<256x128xf32>
      %lt3A_84 = arith.cmpf olt, %add3A_81, %lt3A_83 : vector<256x128xf32>
      %convert_element_type3A_85 = arith.extui %lt3A_84 : vector<256x128xi1> to vector<256x128xi32>
      %convert_element_type3A_86 = arith.sitofp %convert_element_type3A_85 : vector<256x128xi32> to vector<256x128xf32>
      %mul3A_87 = arith.mulf %slice3A_74, %convert_element_type3A_86 : vector<256x128xf32>
      %reduce_sum3A_88 = arith.constant dense<0.000000e+00> : vector<256xf32>
      %reduce_sum3A_89 = vector.multi_reduction <add>, %slice3A_74, %reduce_sum3A_88 [1] : vector<256x128xf32> to vector<256xf32>
      %broadcast_in_dim3A_90 = vector.shape_cast %reduce_sum3A_89 : vector<256xf32> to vector<256x1xf32>
      %add3A_91 = arith.addf %add3A_73, %broadcast_in_dim3A_90 : vector<256x1xf32>
      %slice3A_92 = vector.extract_strided_slice %convert_element_type3A_35 {offsets = [0, 384], sizes = [256, 128], strides = [1, 1]} : vector<256x5120xf32> to vector<256x128xf32>
      %get3A_93 = arith.constant 0 : index
      %get3A_94 = arith.constant 0 : index
      %get3A_95 = vector.load %arg6[%get3A_93, %get3A_94] : memref<128x128xf32, #tpu.memory_space<vmem>>, vector<128x128xf32>
      %dot_general3A_96 = arith.constant dense<0.000000e+00> : vector<256x128xf32>
      %dot_general3A_97 = tpu.matmul %slice3A_92, %get3A_95, %dot_general3A_96 {dimension_numbers = #tpu.dot_dimension_numbers<[1], [0], [0], [1], [0, 0, 1, 1], [], []>, transpose_lhs_hint = false} : vector<256x128xf32>, vector<128x128xf32>, vector<256x128xf32> -> vector<256x128xf32>
      %add3A_98 = vector.broadcast %add3A_91 : vector<256x1xf32> to vector<256x128xf32>
      %add3A_99 = arith.addf %add3A_98, %dot_general3A_97 : vector<256x128xf32>
      %lt3A_100 = arith.constant 3.200000e+01 : f32
      %lt3A_101 = vector.broadcast %lt3A_100 : f32 to vector<256x128xf32>
      %lt3A_102 = arith.cmpf olt, %add3A_99, %lt3A_101 : vector<256x128xf32>
      %convert_element_type3A_103 = arith.extui %lt3A_102 : vector<256x128xi1> to vector<256x128xi32>
      %convert_element_type3A_104 = arith.sitofp %convert_element_type3A_103 : vector<256x128xi32> to vector<256x128xf32>
      %mul3A_105 = arith.mulf %slice3A_92, %convert_element_type3A_104 : vector<256x128xf32>
      %reduce_sum3A_106 = arith.constant dense<0.000000e+00> : vector<256xf32>
      %reduce_sum3A_107 = vector.multi_reduction <add>, %slice3A_92, %reduce_sum3A_106 [1] : vector<256x128xf32> to vector<256xf32>
      %broadcast_in_dim3A_108 = vector.shape_cast %reduce_sum3A_107 : vector<256xf32> to vector<256x1xf32>
      %add3A_109 = arith.addf %add3A_91, %broadcast_in_dim3A_108 : vector<256x1xf32>
      %slice3A_110 = vector.extract_strided_slice %convert_element_type3A_35 {offsets = [0, 512], sizes = [256, 128], strides = [1, 1]} : vector<256x5120xf32> to vector<256x128xf32>
      %get3A_111 = arith.constant 0 : index
      %get3A_112 = arith.constant 0 : index
      %get3A_113 = vector.load %arg6[%get3A_111, %get3A_112] : memref<128x128xf32, #tpu.memory_space<vmem>>, vector<128x128xf32>
      %dot_general3A_114 = arith.constant dense<0.000000e+00> : vector<256x128xf32>
      %dot_general3A_115 = tpu.matmul %slice3A_110, %get3A_113, %dot_general3A_114 {dimension_numbers = #tpu.dot_dimension_numbers<[1], [0], [0], [1], [0, 0, 1, 1], [], []>, transpose_lhs_hint = false} : vector<256x128xf32>, vector<128x128xf32>, vector<256x128xf32> -> vector<256x128xf32>
      %add3A_116 = vector.broadcast %add3A_109 : vector<256x1xf32> to vector<256x128xf32>
      %add3A_117 = arith.addf %add3A_116, %dot_general3A_115 : vector<256x128xf32>
      %lt3A_118 = arith.constant 3.200000e+01 : f32
      %lt3A_119 = vector.broadcast %lt3A_118 : f32 to vector<256x128xf32>
      %lt3A_120 = arith.cmpf olt, %add3A_117, %lt3A_119 : vector<256x128xf32>
      %convert_element_type3A_121 = arith.extui %lt3A_120 : vector<256x128xi1> to vector<256x128xi32>
      %convert_element_type3A_122 = arith.sitofp %convert_element_type3A_121 : vector<256x128xi32> to vector<256x128xf32>
      %mul3A_123 = arith.mulf %slice3A_110, %convert_element_type3A_122 : vector<256x128xf32>
      %reduce_sum3A_124 = arith.constant dense<0.000000e+00> : vector<256xf32>
      %reduce_sum3A_125 = vector.multi_reduction <add>, %slice3A_110, %reduce_sum3A_124 [1] : vector<256x128xf32> to vector<256xf32>
      %broadcast_in_dim3A_126 = vector.shape_cast %reduce_sum3A_125 : vector<256xf32> to vector<256x1xf32>
      %add3A_127 = arith.addf %add3A_109, %broadcast_in_dim3A_126 : vector<256x1xf32>
      %slice3A_128 = vector.extract_strided_slice %convert_element_type3A_35 {offsets = [0, 640], sizes = [256, 128], strides = [1, 1]} : vector<256x5120xf32> to vector<256x128xf32>
      %get3A_129 = arith.constant 0 : index
      %get3A_130 = arith.constant 0 : index
      %get3A_131 = vector.load %arg6[%get3A_129, %get3A_130] : memref<128x128xf32, #tpu.memory_space<vmem>>, vector<128x128xf32>
      %dot_general3A_132 = arith.constant dense<0.000000e+00> : vector<256x128xf32>
      %dot_general3A_133 = tpu.matmul %slice3A_128, %get3A_131, %dot_general3A_132 {dimension_numbers = #tpu.dot_dimension_numbers<[1], [0], [0], [1], [0, 0, 1, 1], [], []>, transpose_lhs_hint = false} : vector<256x128xf32>, vector<128x128xf32>, vector<256x128xf32> -> vector<256x128xf32>
      %add3A_134 = vector.broadcast %add3A_127 : vector<256x1xf32> to vector<256x128xf32>
      %add3A_135 = arith.addf %add3A_134, %dot_general3A_133 : vector<256x128xf32>
      %lt3A_136 = arith.constant 3.200000e+01 : f32
      %lt3A_137 = vector.broadcast %lt3A_136 : f32 to vector<256x128xf32>
      %lt3A_138 = arith.cmpf olt, %add3A_135, %lt3A_137 : vector<256x128xf32>
      %convert_element_type3A_139 = arith.extui %lt3A_138 : vector<256x128xi1> to vector<256x128xi32>
      %convert_element_type3A_140 = arith.sitofp %convert_element_type3A_139 : vector<256x128xi32> to vector<256x128xf32>
      %mul3A_141 = arith.mulf %slice3A_128, %convert_element_type3A_140 : vector<256x128xf32>
      %reduce_sum3A_142 = arith.constant dense<0.000000e+00> : vector<256xf32>
      %reduce_sum3A_143 = vector.multi_reduction <add>, %slice3A_128, %reduce_sum3A_142 [1] : vector<256x128xf32> to vector<256xf32>
      %broadcast_in_dim3A_144 = vector.shape_cast %reduce_sum3A_143 : vector<256xf32> to vector<256x1xf32>
      %add3A_145 = arith.addf %add3A_127, %broadcast_in_dim3A_144 : vector<256x1xf32>
      %slice3A_146 = vector.extract_strided_slice %convert_element_type3A_35 {offsets = [0, 768], sizes = [256, 128], strides = [1, 1]} : vector<256x5120xf32> to vector<256x128xf32>
      %get3A_147 = arith.constant 0 : index
      %get3A_148 = arith.constant 0 : index
      %get3A_149 = vector.load %arg6[%get3A_147, %get3A_148] : memref<128x128xf32, #tpu.memory_space<vmem>>, vector<128x128xf32>
      %dot_general3A_150 = arith.constant dense<0.000000e+00> : vector<256x128xf32>
      %dot_general3A_151 = tpu.matmul %slice3A_146, %get3A_149, %dot_general3A_150 {dimension_numbers = #tpu.dot_dimension_numbers<[1], [0], [0], [1], [0, 0, 1, 1], [], []>, transpose_lhs_hint = false} : vector<256x128xf32>, vector<128x128xf32>, vector<256x128xf32> -> vector<256x128xf32>
      %add3A_152 = vector.broadcast %add3A_145 : vector<256x1xf32> to vector<256x128xf32>
      %add3A_153 = arith.addf %add3A_152, %dot_general3A_151 : vector<256x128xf32>
      %lt3A_154 = arith.constant 3.200000e+01 : f32
      %lt3A_155 = vector.broadcast %lt3A_154 : f32 to vector<256x128xf32>
      %lt3A_156 = arith.cmpf olt, %add3A_153, %lt3A_155 : vector<256x128xf32>
      %convert_element_type3A_157 = arith.extui %lt3A_156 : vector<256x128xi1> to vector<256x128xi32>
      %convert_element_type3A_158 = arith.sitofp %convert_element_type3A_157 : vector<256x128xi32> to vector<256x128xf32>
      %mul3A_159 = arith.mulf %slice3A_146, %convert_element_type3A_158 : vector<256x128xf32>
      %reduce_sum3A_160 = arith.constant dense<0.000000e+00> : vector<256xf32>
      %reduce_sum3A_161 = vector.multi_reduction <add>, %slice3A_146, %reduce_sum3A_160 [1] : vector<256x128xf32> to vector<256xf32>
      %broadcast_in_dim3A_162 = vector.shape_cast %reduce_sum3A_161 : vector<256xf32> to vector<256x1xf32>
      %add3A_163 = arith.addf %add3A_145, %broadcast_in_dim3A_162 : vector<256x1xf32>
      %slice3A_164 = vector.extract_strided_slice %convert_element_type3A_35 {offsets = [0, 896], sizes = [256, 128], strides = [1, 1]} : vector<256x5120xf32> to vector<256x128xf32>
      %get3A_165 = arith.constant 0 : index
      %get3A_166 = arith.constant 0 : index
      %get3A_167 = vector.load %arg6[%get3A_165, %get3A_166] : memref<128x128xf32, #tpu.memory_space<vmem>>, vector<128x128xf32>
      %dot_general3A_168 = arith.constant dense<0.000000e+00> : vector<256x128xf32>
      %dot_general3A_169 = tpu.matmul %slice3A_164, %get3A_167, %dot_general3A_168 {dimension_numbers = #tpu.dot_dimension_numbers<[1], [0], [0], [1], [0, 0, 1, 1], [], []>, transpose_lhs_hint = false} : vector<256x128xf32>, vector<128x128xf32>, vector<256x128xf32> -> vector<256x128xf32>
      %add3A_170 = vector.broadcast %add3A_163 : vector<256x1xf32> to vector<256x128xf32>
      %add3A_171 = arith.addf %add3A_170, %dot_general3A_169 : vector<256x128xf32>
      %lt3A_172 = arith.constant 3.200000e+01 : f32
      %lt3A_173 = vector.broadcast %lt3A_172 : f32 to vector<256x128xf32>
      %lt3A_174 = arith.cmpf olt, %add3A_171, %lt3A_173 : vector<256x128xf32>
      %convert_element_type3A_175 = arith.extui %lt3A_174 : vector<256x128xi1> to vector<256x128xi32>
      %convert_element_type3A_176 = arith.sitofp %convert_element_type3A_175 : vector<256x128xi32> to vector<256x128xf32>
      %mul3A_177 = arith.mulf %slice3A_164, %convert_element_type3A_176 : vector<256x128xf32>
      %reduce_sum3A_178 = arith.constant dense<0.000000e+00> : vector<256xf32>
      %reduce_sum3A_179 = vector.multi_reduction <add>, %slice3A_164, %reduce_sum3A_178 [1] : vector<256x128xf32> to vector<256xf32>
      %broadcast_in_dim3A_180 = vector.shape_cast %reduce_sum3A_179 : vector<256xf32> to vector<256x1xf32>
      %add3A_181 = arith.addf %add3A_163, %broadcast_in_dim3A_180 : vector<256x1xf32>
      %slice3A_182 = vector.extract_strided_slice %convert_element_type3A_35 {offsets = [0, 1024], sizes = [256, 128], strides = [1, 1]} : vector<256x5120xf32> to vector<256x128xf32>
      %get3A_183 = arith.constant 0 : index
      %get3A_184 = arith.constant 0 : index
      %get3A_185 = vector.load %arg6[%get3A_183, %get3A_184] : memref<128x128xf32, #tpu.memory_space<vmem>>, vector<128x128xf32>
      %dot_general3A_186 = arith.constant dense<0.000000e+00> : vector<256x128xf32>
      %dot_general3A_187 = tpu.matmul %slice3A_182, %get3A_185, %dot_general3A_186 {dimension_numbers = #tpu.dot_dimension_numbers<[1], [0], [0], [1], [0, 0, 1, 1], [], []>, transpose_lhs_hint = false} : vector<256x128xf32>, vector<128x128xf32>, vector<256x128xf32> -> vector<256x128xf32>
      %add3A_188 = vector.broadcast %add3A_181 : vector<256x1xf32> to vector<256x128xf32>
      %add3A_189 = arith.addf %add3A_188, %dot_general3A_187 : vector<256x128xf32>
      %lt3A_190 = arith.constant 3.200000e+01 : f32
      %lt3A_191 = vector.broadcast %lt3A_190 : f32 to vector<256x128xf32>
      %lt3A_192 = arith.cmpf olt, %add3A_189, %lt3A_191 : vector<256x128xf32>
      %convert_element_type3A_193 = arith.extui %lt3A_192 : vector<256x128xi1> to vector<256x128xi32>
      %convert_element_type3A_194 = arith.sitofp %convert_element_type3A_193 : vector<256x128xi32> to vector<256x128xf32>
      %mul3A_195 = arith.mulf %slice3A_182, %convert_element_type3A_194 : vector<256x128xf32>
      %reduce_sum3A_196 = arith.constant dense<0.000000e+00> : vector<256xf32>
      %reduce_sum3A_197 = vector.multi_reduction <add>, %slice3A_182, %reduce_sum3A_196 [1] : vector<256x128xf32> to vector<256xf32>
      %broadcast_in_dim3A_198 = vector.shape_cast %reduce_sum3A_197 : vector<256xf32> to vector<256x1xf32>
      %add3A_199 = arith.addf %add3A_181, %broadcast_in_dim3A_198 : vector<256x1xf32>
      %slice3A_200 = vector.extract_strided_slice %convert_element_type3A_35 {offsets = [0, 1152], sizes = [256, 128], strides = [1, 1]} : vector<256x5120xf32> to vector<256x128xf32>
      %get3A_201 = arith.constant 0 : index
      %get3A_202 = arith.constant 0 : index
      %get3A_203 = vector.load %arg6[%get3A_201, %get3A_202] : memref<128x128xf32, #tpu.memory_space<vmem>>, vector<128x128xf32>
      %dot_general3A_204 = arith.constant dense<0.000000e+00> : vector<256x128xf32>
      %dot_general3A_205 = tpu.matmul %slice3A_200, %get3A_203, %dot_general3A_204 {dimension_numbers = #tpu.dot_dimension_numbers<[1], [0], [0], [1], [0, 0, 1, 1], [], []>, transpose_lhs_hint = false} : vector<256x128xf32>, vector<128x128xf32>, vector<256x128xf32> -> vector<256x128xf32>
      %add3A_206 = vector.broadcast %add3A_199 : vector<256x1xf32> to vector<256x128xf32>
      %add3A_207 = arith.addf %add3A_206, %dot_general3A_205 : vector<256x128xf32>
      %lt3A_208 = arith.constant 3.200000e+01 : f32
      %lt3A_209 = vector.broadcast %lt3A_208 : f32 to vector<256x128xf32>
      %lt3A_210 = arith.cmpf olt, %add3A_207, %lt3A_209 : vector<256x128xf32>
      %convert_element_type3A_211 = arith.extui %lt3A_210 : vector<256x128xi1> to vector<256x128xi32>
      %convert_element_type3A_212 = arith.sitofp %convert_element_type3A_211 : vector<256x128xi32> to vector<256x128xf32>
      %mul3A_213 = arith.mulf %slice3A_200, %convert_element_type3A_212 : vector<256x128xf32>
      %reduce_sum3A_214 = arith.constant dense<0.000000e+00> : vector<256xf32>
      %reduce_sum3A_215 = vector.multi_reduction <add>, %slice3A_200, %reduce_sum3A_214 [1] : vector<256x128xf32> to vector<256xf32>
      %broadcast_in_dim3A_216 = vector.shape_cast %reduce_sum3A_215 : vector<256xf32> to vector<256x1xf32>
      %add3A_217 = arith.addf %add3A_199, %broadcast_in_dim3A_216 : vector<256x1xf32>
      %slice3A_218 = vector.extract_strided_slice %convert_element_type3A_35 {offsets = [0, 1280], sizes = [256, 128], strides = [1, 1]} : vector<256x5120xf32> to vector<256x128xf32>
      %get3A_219 = arith.constant 0 : index
      %get3A_220 = arith.constant 0 : index
      %get3A_221 = vector.load %arg6[%get3A_219, %get3A_220] : memref<128x128xf32, #tpu.memory_space<vmem>>, vector<128x128xf32>
      %dot_general3A_222 = arith.constant dense<0.000000e+00> : vector<256x128xf32>
      %dot_general3A_223 = tpu.matmul %slice3A_218, %get3A_221, %dot_general3A_222 {dimension_numbers = #tpu.dot_dimension_numbers<[1], [0], [0], [1], [0, 0, 1, 1], [], []>, transpose_lhs_hint = false} : vector<256x128xf32>, vector<128x128xf32>, vector<256x128xf32> -> vector<256x128xf32>
      %add3A_224 = vector.broadcast %add3A_217 : vector<256x1xf32> to vector<256x128xf32>
      %add3A_225 = arith.addf %add3A_224, %dot_general3A_223 : vector<256x128xf32>
      %lt3A_226 = arith.constant 3.200000e+01 : f32
      %lt3A_227 = vector.broadcast %lt3A_226 : f32 to vector<256x128xf32>
      %lt3A_228 = arith.cmpf olt, %add3A_225, %lt3A_227 : vector<256x128xf32>
      %convert_element_type3A_229 = arith.extui %lt3A_228 : vector<256x128xi1> to vector<256x128xi32>
      %convert_element_type3A_230 = arith.sitofp %convert_element_type3A_229 : vector<256x128xi32> to vector<256x128xf32>
      %mul3A_231 = arith.mulf %slice3A_218, %convert_element_type3A_230 : vector<256x128xf32>
      %reduce_sum3A_232 = arith.constant dense<0.000000e+00> : vector<256xf32>
      %reduce_sum3A_233 = vector.multi_reduction <add>, %slice3A_218, %reduce_sum3A_232 [1] : vector<256x128xf32> to vector<256xf32>
      %broadcast_in_dim3A_234 = vector.shape_cast %reduce_sum3A_233 : vector<256xf32> to vector<256x1xf32>
      %add3A_235 = arith.addf %add3A_217, %broadcast_in_dim3A_234 : vector<256x1xf32>
      %slice3A_236 = vector.extract_strided_slice %convert_element_type3A_35 {offsets = [0, 1408], sizes = [256, 128], strides = [1, 1]} : vector<256x5120xf32> to vector<256x128xf32>
      %get3A_237 = arith.constant 0 : index
      %get3A_238 = arith.constant 0 : index
      %get3A_239 = vector.load %arg6[%get3A_237, %get3A_238] : memref<128x128xf32, #tpu.memory_space<vmem>>, vector<128x128xf32>
      %dot_general3A_240 = arith.constant dense<0.000000e+00> : vector<256x128xf32>
      %dot_general3A_241 = tpu.matmul %slice3A_236, %get3A_239, %dot_general3A_240 {dimension_numbers = #tpu.dot_dimension_numbers<[1], [0], [0], [1], [0, 0, 1, 1], [], []>, transpose_lhs_hint = false} : vector<256x128xf32>, vector<128x128xf32>, vector<256x128xf32> -> vector<256x128xf32>
      %add3A_242 = vector.broadcast %add3A_235 : vector<256x1xf32> to vector<256x128xf32>
      %add3A_243 = arith.addf %add3A_242, %dot_general3A_241 : vector<256x128xf32>
      %lt3A_244 = arith.constant 3.200000e+01 : f32
      %lt3A_245 = vector.broadcast %lt3A_244 : f32 to vector<256x128xf32>
      %lt3A_246 = arith.cmpf olt, %add3A_243, %lt3A_245 : vector<256x128xf32>
      %convert_element_type3A_247 = arith.extui %lt3A_246 : vector<256x128xi1> to vector<256x128xi32>
      %convert_element_type3A_248 = arith.sitofp %convert_element_type3A_247 : vector<256x128xi32> to vector<256x128xf32>
      %mul3A_249 = arith.mulf %slice3A_236, %convert_element_type3A_248 : vector<256x128xf32>
      %reduce_sum3A_250 = arith.constant dense<0.000000e+00> : vector<256xf32>
      %reduce_sum3A_251 = vector.multi_reduction <add>, %slice3A_236, %reduce_sum3A_250 [1] : vector<256x128xf32> to vector<256xf32>
      %broadcast_in_dim3A_252 = vector.shape_cast %reduce_sum3A_251 : vector<256xf32> to vector<256x1xf32>
      %add3A_253 = arith.addf %add3A_235, %broadcast_in_dim3A_252 : vector<256x1xf32>
      %slice3A_254 = vector.extract_strided_slice %convert_element_type3A_35 {offsets = [0, 1536], sizes = [256, 128], strides = [1, 1]} : vector<256x5120xf32> to vector<256x128xf32>
      %get3A_255 = arith.constant 0 : index
      %get3A_256 = arith.constant 0 : index
      %get3A_257 = vector.load %arg6[%get3A_255, %get3A_256] : memref<128x128xf32, #tpu.memory_space<vmem>>, vector<128x128xf32>
      %dot_general3A_258 = arith.constant dense<0.000000e+00> : vector<256x128xf32>
      %dot_general3A_259 = tpu.matmul %slice3A_254, %get3A_257, %dot_general3A_258 {dimension_numbers = #tpu.dot_dimension_numbers<[1], [0], [0], [1], [0, 0, 1, 1], [], []>, transpose_lhs_hint = false} : vector<256x128xf32>, vector<128x128xf32>, vector<256x128xf32> -> vector<256x128xf32>
      %add3A_260 = vector.broadcast %add3A_253 : vector<256x1xf32> to vector<256x128xf32>
      %add3A_261 = arith.addf %add3A_260, %dot_general3A_259 : vector<256x128xf32>
      %lt3A_262 = arith.constant 3.200000e+01 : f32
      %lt3A_263 = vector.broadcast %lt3A_262 : f32 to vector<256x128xf32>
      %lt3A_264 = arith.cmpf olt, %add3A_261, %lt3A_263 : vector<256x128xf32>
      %convert_element_type3A_265 = arith.extui %lt3A_264 : vector<256x128xi1> to vector<256x128xi32>
      %convert_element_type3A_266 = arith.sitofp %convert_element_type3A_265 : vector<256x128xi32> to vector<256x128xf32>
      %mul3A_267 = arith.mulf %slice3A_254, %convert_element_type3A_266 : vector<256x128xf32>
      %reduce_sum3A_268 = arith.constant dense<0.000000e+00> : vector<256xf32>
      %reduce_sum3A_269 = vector.multi_reduction <add>, %slice3A_254, %reduce_sum3A_268 [1] : vector<256x128xf32> to vector<256xf32>
      %broadcast_in_dim3A_270 = vector.shape_cast %reduce_sum3A_269 : vector<256xf32> to vector<256x1xf32>
      %add3A_271 = arith.addf %add3A_253, %broadcast_in_dim3A_270 : vector<256x1xf32>
      %slice3A_272 = vector.extract_strided_slice %convert_element_type3A_35 {offsets = [0, 1664], sizes = [256, 128], strides = [1, 1]} : vector<256x5120xf32> to vector<256x128xf32>
      %get3A_273 = arith.constant 0 : index
      %get3A_274 = arith.constant 0 : index
      %get3A_275 = vector.load %arg6[%get3A_273, %get3A_274] : memref<128x128xf32, #tpu.memory_space<vmem>>, vector<128x128xf32>
      %dot_general3A_276 = arith.constant dense<0.000000e+00> : vector<256x128xf32>
      %dot_general3A_277 = tpu.matmul %slice3A_272, %get3A_275, %dot_general3A_276 {dimension_numbers = #tpu.dot_dimension_numbers<[1], [0], [0], [1], [0, 0, 1, 1], [], []>, transpose_lhs_hint = false} : vector<256x128xf32>, vector<128x128xf32>, vector<256x128xf32> -> vector<256x128xf32>
      %add3A_278 = vector.broadcast %add3A_271 : vector<256x1xf32> to vector<256x128xf32>
      %add3A_279 = arith.addf %add3A_278, %dot_general3A_277 : vector<256x128xf32>
      %lt3A_280 = arith.constant 3.200000e+01 : f32
      %lt3A_281 = vector.broadcast %lt3A_280 : f32 to vector<256x128xf32>
      %lt3A_282 = arith.cmpf olt, %add3A_279, %lt3A_281 : vector<256x128xf32>
      %convert_element_type3A_283 = arith.extui %lt3A_282 : vector<256x128xi1> to vector<256x128xi32>
      %convert_element_type3A_284 = arith.sitofp %convert_element_type3A_283 : vector<256x128xi32> to vector<256x128xf32>
      %mul3A_285 = arith.mulf %slice3A_272, %convert_element_type3A_284 : vector<256x128xf32>
      %reduce_sum3A_286 = arith.constant dense<0.000000e+00> : vector<256xf32>
      %reduce_sum3A_287 = vector.multi_reduction <add>, %slice3A_272, %reduce_sum3A_286 [1] : vector<256x128xf32> to vector<256xf32>
      %broadcast_in_dim3A_288 = vector.shape_cast %reduce_sum3A_287 : vector<256xf32> to vector<256x1xf32>
      %add3A_289 = arith.addf %add3A_271, %broadcast_in_dim3A_288 : vector<256x1xf32>
      %slice3A_290 = vector.extract_strided_slice %convert_element_type3A_35 {offsets = [0, 1792], sizes = [256, 128], strides = [1, 1]} : vector<256x5120xf32> to vector<256x128xf32>
      %get3A_291 = arith.constant 0 : index
      %get3A_292 = arith.constant 0 : index
      %get3A_293 = vector.load %arg6[%get3A_291, %get3A_292] : memref<128x128xf32, #tpu.memory_space<vmem>>, vector<128x128xf32>
      %dot_general3A_294 = arith.constant dense<0.000000e+00> : vector<256x128xf32>
      %dot_general3A_295 = tpu.matmul %slice3A_290, %get3A_293, %dot_general3A_294 {dimension_numbers = #tpu.dot_dimension_numbers<[1], [0], [0], [1], [0, 0, 1, 1], [], []>, transpose_lhs_hint = false} : vector<256x128xf32>, vector<128x128xf32>, vector<256x128xf32> -> vector<256x128xf32>
      %add3A_296 = vector.broadcast %add3A_289 : vector<256x1xf32> to vector<256x128xf32>
      %add3A_297 = arith.addf %add3A_296, %dot_general3A_295 : vector<256x128xf32>
      %lt3A_298 = arith.constant 3.200000e+01 : f32
      %lt3A_299 = vector.broadcast %lt3A_298 : f32 to vector<256x128xf32>
      %lt3A_300 = arith.cmpf olt, %add3A_297, %lt3A_299 : vector<256x128xf32>
      %convert_element_type3A_301 = arith.extui %lt3A_300 : vector<256x128xi1> to vector<256x128xi32>
      %convert_element_type3A_302 = arith.sitofp %convert_element_type3A_301 : vector<256x128xi32> to vector<256x128xf32>
      %mul3A_303 = arith.mulf %slice3A_290, %convert_element_type3A_302 : vector<256x128xf32>
      %reduce_sum3A_304 = arith.constant dense<0.000000e+00> : vector<256xf32>
      %reduce_sum3A_305 = vector.multi_reduction <add>, %slice3A_290, %reduce_sum3A_304 [1] : vector<256x128xf32> to vector<256xf32>
      %broadcast_in_dim3A_306 = vector.shape_cast %reduce_sum3A_305 : vector<256xf32> to vector<256x1xf32>
      %add3A_307 = arith.addf %add3A_289, %broadcast_in_dim3A_306 : vector<256x1xf32>
      %slice3A_308 = vector.extract_strided_slice %convert_element_type3A_35 {offsets = [0, 1920], sizes = [256, 128], strides = [1, 1]} : vector<256x5120xf32> to vector<256x128xf32>
      %get3A_309 = arith.constant 0 : index
      %get3A_310 = arith.constant 0 : index
      %get3A_311 = vector.load %arg6[%get3A_309, %get3A_310] : memref<128x128xf32, #tpu.memory_space<vmem>>, vector<128x128xf32>
      %dot_general3A_312 = arith.constant dense<0.000000e+00> : vector<256x128xf32>
      %dot_general3A_313 = tpu.matmul %slice3A_308, %get3A_311, %dot_general3A_312 {dimension_numbers = #tpu.dot_dimension_numbers<[1], [0], [0], [1], [0, 0, 1, 1], [], []>, transpose_lhs_hint = false} : vector<256x128xf32>, vector<128x128xf32>, vector<256x128xf32> -> vector<256x128xf32>
      %add3A_314 = vector.broadcast %add3A_307 : vector<256x1xf32> to vector<256x128xf32>
      %add3A_315 = arith.addf %add3A_314, %dot_general3A_313 : vector<256x128xf32>
      %lt3A_316 = arith.constant 3.200000e+01 : f32
      %lt3A_317 = vector.broadcast %lt3A_316 : f32 to vector<256x128xf32>
      %lt3A_318 = arith.cmpf olt, %add3A_315, %lt3A_317 : vector<256x128xf32>
      %convert_element_type3A_319 = arith.extui %lt3A_318 : vector<256x128xi1> to vector<256x128xi32>
      %convert_element_type3A_320 = arith.sitofp %convert_element_type3A_319 : vector<256x128xi32> to vector<256x128xf32>
      %mul3A_321 = arith.mulf %slice3A_308, %convert_element_type3A_320 : vector<256x128xf32>
      %reduce_sum3A_322 = arith.constant dense<0.000000e+00> : vector<256xf32>
      %reduce_sum3A_323 = vector.multi_reduction <add>, %slice3A_308, %reduce_sum3A_322 [1] : vector<256x128xf32> to vector<256xf32>
      %broadcast_in_dim3A_324 = vector.shape_cast %reduce_sum3A_323 : vector<256xf32> to vector<256x1xf32>
      %add3A_325 = arith.addf %add3A_307, %broadcast_in_dim3A_324 : vector<256x1xf32>
      %slice3A_326 = vector.extract_strided_slice %convert_element_type3A_35 {offsets = [0, 2048], sizes = [256, 128], strides = [1, 1]} : vector<256x5120xf32> to vector<256x128xf32>
      %get3A_327 = arith.constant 0 : index
      %get3A_328 = arith.constant 0 : index
      %get3A_329 = vector.load %arg6[%get3A_327, %get3A_328] : memref<128x128xf32, #tpu.memory_space<vmem>>, vector<128x128xf32>
      %dot_general3A_330 = arith.constant dense<0.000000e+00> : vector<256x128xf32>
      %dot_general3A_331 = tpu.matmul %slice3A_326, %get3A_329, %dot_general3A_330 {dimension_numbers = #tpu.dot_dimension_numbers<[1], [0], [0], [1], [0, 0, 1, 1], [], []>, transpose_lhs_hint = false} : vector<256x128xf32>, vector<128x128xf32>, vector<256x128xf32> -> vector<256x128xf32>
      %add3A_332 = vector.broadcast %add3A_325 : vector<256x1xf32> to vector<256x128xf32>
      %add3A_333 = arith.addf %add3A_332, %dot_general3A_331 : vector<256x128xf32>
      %lt3A_334 = arith.constant 3.200000e+01 : f32
      %lt3A_335 = vector.broadcast %lt3A_334 : f32 to vector<256x128xf32>
      %lt3A_336 = arith.cmpf olt, %add3A_333, %lt3A_335 : vector<256x128xf32>
      %convert_element_type3A_337 = arith.extui %lt3A_336 : vector<256x128xi1> to vector<256x128xi32>
      %convert_element_type3A_338 = arith.sitofp %convert_element_type3A_337 : vector<256x128xi32> to vector<256x128xf32>
      %mul3A_339 = arith.mulf %slice3A_326, %convert_element_type3A_338 : vector<256x128xf32>
      %reduce_sum3A_340 = arith.constant dense<0.000000e+00> : vector<256xf32>
      %reduce_sum3A_341 = vector.multi_reduction <add>, %slice3A_326, %reduce_sum3A_340 [1] : vector<256x128xf32> to vector<256xf32>
      %broadcast_in_dim3A_342 = vector.shape_cast %reduce_sum3A_341 : vector<256xf32> to vector<256x1xf32>
      %add3A_343 = arith.addf %add3A_325, %broadcast_in_dim3A_342 : vector<256x1xf32>
      %slice3A_344 = vector.extract_strided_slice %convert_element_type3A_35 {offsets = [0, 2176], sizes = [256, 128], strides = [1, 1]} : vector<256x5120xf32> to vector<256x128xf32>
      %get3A_345 = arith.constant 0 : index
      %get3A_346 = arith.constant 0 : index
      %get3A_347 = vector.load %arg6[%get3A_345, %get3A_346] : memref<128x128xf32, #tpu.memory_space<vmem>>, vector<128x128xf32>
      %dot_general3A_348 = arith.constant dense<0.000000e+00> : vector<256x128xf32>
      %dot_general3A_349 = tpu.matmul %slice3A_344, %get3A_347, %dot_general3A_348 {dimension_numbers = #tpu.dot_dimension_numbers<[1], [0], [0], [1], [0, 0, 1, 1], [], []>, transpose_lhs_hint = false} : vector<256x128xf32>, vector<128x128xf32>, vector<256x128xf32> -> vector<256x128xf32>
      %add3A_350 = vector.broadcast %add3A_343 : vector<256x1xf32> to vector<256x128xf32>
      %add3A_351 = arith.addf %add3A_350, %dot_general3A_349 : vector<256x128xf32>
      %lt3A_352 = arith.constant 3.200000e+01 : f32
      %lt3A_353 = vector.broadcast %lt3A_352 : f32 to vector<256x128xf32>
      %lt3A_354 = arith.cmpf olt, %add3A_351, %lt3A_353 : vector<256x128xf32>
      %convert_element_type3A_355 = arith.extui %lt3A_354 : vector<256x128xi1> to vector<256x128xi32>
      %convert_element_type3A_356 = arith.sitofp %convert_element_type3A_355 : vector<256x128xi32> to vector<256x128xf32>
      %mul3A_357 = arith.mulf %slice3A_344, %convert_element_type3A_356 : vector<256x128xf32>
      %reduce_sum3A_358 = arith.constant dense<0.000000e+00> : vector<256xf32>
      %reduce_sum3A_359 = vector.multi_reduction <add>, %slice3A_344, %reduce_sum3A_358 [1] : vector<256x128xf32> to vector<256xf32>
      %broadcast_in_dim3A_360 = vector.shape_cast %reduce_sum3A_359 : vector<256xf32> to vector<256x1xf32>
      %add3A_361 = arith.addf %add3A_343, %broadcast_in_dim3A_360 : vector<256x1xf32>
      %slice3A_362 = vector.extract_strided_slice %convert_element_type3A_35 {offsets = [0, 2304], sizes = [256, 128], strides = [1, 1]} : vector<256x5120xf32> to vector<256x128xf32>
      %get3A_363 = arith.constant 0 : index
      %get3A_364 = arith.constant 0 : index
      %get3A_365 = vector.load %arg6[%get3A_363, %get3A_364] : memref<128x128xf32, #tpu.memory_space<vmem>>, vector<128x128xf32>
      %dot_general3A_366 = arith.constant dense<0.000000e+00> : vector<256x128xf32>
      %dot_general3A_367 = tpu.matmul %slice3A_362, %get3A_365, %dot_general3A_366 {dimension_numbers = #tpu.dot_dimension_numbers<[1], [0], [0], [1], [0, 0, 1, 1], [], []>, transpose_lhs_hint = false} : vector<256x128xf32>, vector<128x128xf32>, vector<256x128xf32> -> vector<256x128xf32>
      %add3A_368 = vector.broadcast %add3A_361 : vector<256x1xf32> to vector<256x128xf32>
      %add3A_369 = arith.addf %add3A_368, %dot_general3A_367 : vector<256x128xf32>
      %lt3A_370 = arith.constant 3.200000e+01 : f32
      %lt3A_371 = vector.broadcast %lt3A_370 : f32 to vector<256x128xf32>
      %lt3A_372 = arith.cmpf olt, %add3A_369, %lt3A_371 : vector<256x128xf32>
      %convert_element_type3A_373 = arith.extui %lt3A_372 : vector<256x128xi1> to vector<256x128xi32>
      %convert_element_type3A_374 = arith.sitofp %convert_element_type3A_373 : vector<256x128xi32> to vector<256x128xf32>
      %mul3A_375 = arith.mulf %slice3A_362, %convert_element_type3A_374 : vector<256x128xf32>
      %reduce_sum3A_376 = arith.constant dense<0.000000e+00> : vector<256xf32>
      %reduce_sum3A_377 = vector.multi_reduction <add>, %slice3A_362, %reduce_sum3A_376 [1] : vector<256x128xf32> to vector<256xf32>
      %broadcast_in_dim3A_378 = vector.shape_cast %reduce_sum3A_377 : vector<256xf32> to vector<256x1xf32>
      %add3A_379 = arith.addf %add3A_361, %broadcast_in_dim3A_378 : vector<256x1xf32>
      %slice3A_380 = vector.extract_strided_slice %convert_element_type3A_35 {offsets = [0, 2432], sizes = [256, 128], strides = [1, 1]} : vector<256x5120xf32> to vector<256x128xf32>
      %get3A_381 = arith.constant 0 : index
      %get3A_382 = arith.constant 0 : index
      %get3A_383 = vector.load %arg6[%get3A_381, %get3A_382] : memref<128x128xf32, #tpu.memory_space<vmem>>, vector<128x128xf32>
      %dot_general3A_384 = arith.constant dense<0.000000e+00> : vector<256x128xf32>
      %dot_general3A_385 = tpu.matmul %slice3A_380, %get3A_383, %dot_general3A_384 {dimension_numbers = #tpu.dot_dimension_numbers<[1], [0], [0], [1], [0, 0, 1, 1], [], []>, transpose_lhs_hint = false} : vector<256x128xf32>, vector<128x128xf32>, vector<256x128xf32> -> vector<256x128xf32>
      %add3A_386 = vector.broadcast %add3A_379 : vector<256x1xf32> to vector<256x128xf32>
      %add3A_387 = arith.addf %add3A_386, %dot_general3A_385 : vector<256x128xf32>
      %lt3A_388 = arith.constant 3.200000e+01 : f32
      %lt3A_389 = vector.broadcast %lt3A_388 : f32 to vector<256x128xf32>
      %lt3A_390 = arith.cmpf olt, %add3A_387, %lt3A_389 : vector<256x128xf32>
      %convert_element_type3A_391 = arith.extui %lt3A_390 : vector<256x128xi1> to vector<256x128xi32>
      %convert_element_type3A_392 = arith.sitofp %convert_element_type3A_391 : vector<256x128xi32> to vector<256x128xf32>
      %mul3A_393 = arith.mulf %slice3A_380, %convert_element_type3A_392 : vector<256x128xf32>
      %reduce_sum3A_394 = arith.constant dense<0.000000e+00> : vector<256xf32>
      %reduce_sum3A_395 = vector.multi_reduction <add>, %slice3A_380, %reduce_sum3A_394 [1] : vector<256x128xf32> to vector<256xf32>
      %broadcast_in_dim3A_396 = vector.shape_cast %reduce_sum3A_395 : vector<256xf32> to vector<256x1xf32>
      %add3A_397 = arith.addf %add3A_379, %broadcast_in_dim3A_396 : vector<256x1xf32>
      %slice3A_398 = vector.extract_strided_slice %convert_element_type3A_35 {offsets = [0, 2560], sizes = [256, 128], strides = [1, 1]} : vector<256x5120xf32> to vector<256x128xf32>
      %get3A_399 = arith.constant 0 : index
      %get3A_400 = arith.constant 0 : index
      %get3A_401 = vector.load %arg6[%get3A_399, %get3A_400] : memref<128x128xf32, #tpu.memory_space<vmem>>, vector<128x128xf32>
      %dot_general3A_402 = arith.constant dense<0.000000e+00> : vector<256x128xf32>
      %dot_general3A_403 = tpu.matmul %slice3A_398, %get3A_401, %dot_general3A_402 {dimension_numbers = #tpu.dot_dimension_numbers<[1], [0], [0], [1], [0, 0, 1, 1], [], []>, transpose_lhs_hint = false} : vector<256x128xf32>, vector<128x128xf32>, vector<256x128xf32> -> vector<256x128xf32>
      %add3A_404 = vector.broadcast %add3A_397 : vector<256x1xf32> to vector<256x128xf32>
      %add3A_405 = arith.addf %add3A_404, %dot_general3A_403 : vector<256x128xf32>
      %lt3A_406 = arith.constant 3.200000e+01 : f32
      %lt3A_407 = vector.broadcast %lt3A_406 : f32 to vector<256x128xf32>
      %lt3A_408 = arith.cmpf olt, %add3A_405, %lt3A_407 : vector<256x128xf32>
      %convert_element_type3A_409 = arith.extui %lt3A_408 : vector<256x128xi1> to vector<256x128xi32>
      %convert_element_type3A_410 = arith.sitofp %convert_element_type3A_409 : vector<256x128xi32> to vector<256x128xf32>
      %mul3A_411 = arith.mulf %slice3A_398, %convert_element_type3A_410 : vector<256x128xf32>
      %reduce_sum3A_412 = arith.constant dense<0.000000e+00> : vector<256xf32>
      %reduce_sum3A_413 = vector.multi_reduction <add>, %slice3A_398, %reduce_sum3A_412 [1] : vector<256x128xf32> to vector<256xf32>
      %broadcast_in_dim3A_414 = vector.shape_cast %reduce_sum3A_413 : vector<256xf32> to vector<256x1xf32>
      %add3A_415 = arith.addf %add3A_397, %broadcast_in_dim3A_414 : vector<256x1xf32>
      %slice3A_416 = vector.extract_strided_slice %convert_element_type3A_35 {offsets = [0, 2688], sizes = [256, 128], strides = [1, 1]} : vector<256x5120xf32> to vector<256x128xf32>
      %get3A_417 = arith.constant 0 : index
      %get3A_418 = arith.constant 0 : index
      %get3A_419 = vector.load %arg6[%get3A_417, %get3A_418] : memref<128x128xf32, #tpu.memory_space<vmem>>, vector<128x128xf32>
      %dot_general3A_420 = arith.constant dense<0.000000e+00> : vector<256x128xf32>
      %dot_general3A_421 = tpu.matmul %slice3A_416, %get3A_419, %dot_general3A_420 {dimension_numbers = #tpu.dot_dimension_numbers<[1], [0], [0], [1], [0, 0, 1, 1], [], []>, transpose_lhs_hint = false} : vector<256x128xf32>, vector<128x128xf32>, vector<256x128xf32> -> vector<256x128xf32>
      %add3A_422 = vector.broadcast %add3A_415 : vector<256x1xf32> to vector<256x128xf32>
      %add3A_423 = arith.addf %add3A_422, %dot_general3A_421 : vector<256x128xf32>
      %lt3A_424 = arith.constant 3.200000e+01 : f32
      %lt3A_425 = vector.broadcast %lt3A_424 : f32 to vector<256x128xf32>
      %lt3A_426 = arith.cmpf olt, %add3A_423, %lt3A_425 : vector<256x128xf32>
      %convert_element_type3A_427 = arith.extui %lt3A_426 : vector<256x128xi1> to vector<256x128xi32>
      %convert_element_type3A_428 = arith.sitofp %convert_element_type3A_427 : vector<256x128xi32> to vector<256x128xf32>
      %mul3A_429 = arith.mulf %slice3A_416, %convert_element_type3A_428 : vector<256x128xf32>
      %reduce_sum3A_430 = arith.constant dense<0.000000e+00> : vector<256xf32>
      %reduce_sum3A_431 = vector.multi_reduction <add>, %slice3A_416, %reduce_sum3A_430 [1] : vector<256x128xf32> to vector<256xf32>
      %broadcast_in_dim3A_432 = vector.shape_cast %reduce_sum3A_431 : vector<256xf32> to vector<256x1xf32>
      %add3A_433 = arith.addf %add3A_415, %broadcast_in_dim3A_432 : vector<256x1xf32>
      %slice3A_434 = vector.extract_strided_slice %convert_element_type3A_35 {offsets = [0, 2816], sizes = [256, 128], strides = [1, 1]} : vector<256x5120xf32> to vector<256x128xf32>
      %get3A_435 = arith.constant 0 : index
      %get3A_436 = arith.constant 0 : index
      %get3A_437 = vector.load %arg6[%get3A_435, %get3A_436] : memref<128x128xf32, #tpu.memory_space<vmem>>, vector<128x128xf32>
      %dot_general3A_438 = arith.constant dense<0.000000e+00> : vector<256x128xf32>
      %dot_general3A_439 = tpu.matmul %slice3A_434, %get3A_437, %dot_general3A_438 {dimension_numbers = #tpu.dot_dimension_numbers<[1], [0], [0], [1], [0, 0, 1, 1], [], []>, transpose_lhs_hint = false} : vector<256x128xf32>, vector<128x128xf32>, vector<256x128xf32> -> vector<256x128xf32>
      %add3A_440 = vector.broadcast %add3A_433 : vector<256x1xf32> to vector<256x128xf32>
      %add3A_441 = arith.addf %add3A_440, %dot_general3A_439 : vector<256x128xf32>
      %lt3A_442 = arith.constant 3.200000e+01 : f32
      %lt3A_443 = vector.broadcast %lt3A_442 : f32 to vector<256x128xf32>
      %lt3A_444 = arith.cmpf olt, %add3A_441, %lt3A_443 : vector<256x128xf32>
      %convert_element_type3A_445 = arith.extui %lt3A_444 : vector<256x128xi1> to vector<256x128xi32>
      %convert_element_type3A_446 = arith.sitofp %convert_element_type3A_445 : vector<256x128xi32> to vector<256x128xf32>
      %mul3A_447 = arith.mulf %slice3A_434, %convert_element_type3A_446 : vector<256x128xf32>
      %reduce_sum3A_448 = arith.constant dense<0.000000e+00> : vector<256xf32>
      %reduce_sum3A_449 = vector.multi_reduction <add>, %slice3A_434, %reduce_sum3A_448 [1] : vector<256x128xf32> to vector<256xf32>
      %broadcast_in_dim3A_450 = vector.shape_cast %reduce_sum3A_449 : vector<256xf32> to vector<256x1xf32>
      %add3A_451 = arith.addf %add3A_433, %broadcast_in_dim3A_450 : vector<256x1xf32>
      %slice3A_452 = vector.extract_strided_slice %convert_element_type3A_35 {offsets = [0, 2944], sizes = [256, 128], strides = [1, 1]} : vector<256x5120xf32> to vector<256x128xf32>
      %get3A_453 = arith.constant 0 : index
      %get3A_454 = arith.constant 0 : index
      %get3A_455 = vector.load %arg6[%get3A_453, %get3A_454] : memref<128x128xf32, #tpu.memory_space<vmem>>, vector<128x128xf32>
      %dot_general3A_456 = arith.constant dense<0.000000e+00> : vector<256x128xf32>
      %dot_general3A_457 = tpu.matmul %slice3A_452, %get3A_455, %dot_general3A_456 {dimension_numbers = #tpu.dot_dimension_numbers<[1], [0], [0], [1], [0, 0, 1, 1], [], []>, transpose_lhs_hint = false} : vector<256x128xf32>, vector<128x128xf32>, vector<256x128xf32> -> vector<256x128xf32>
      %add3A_458 = vector.broadcast %add3A_451 : vector<256x1xf32> to vector<256x128xf32>
      %add3A_459 = arith.addf %add3A_458, %dot_general3A_457 : vector<256x128xf32>
      %lt3A_460 = arith.constant 3.200000e+01 : f32
      %lt3A_461 = vector.broadcast %lt3A_460 : f32 to vector<256x128xf32>
      %lt3A_462 = arith.cmpf olt, %add3A_459, %lt3A_461 : vector<256x128xf32>
      %convert_element_type3A_463 = arith.extui %lt3A_462 : vector<256x128xi1> to vector<256x128xi32>
      %convert_element_type3A_464 = arith.sitofp %convert_element_type3A_463 : vector<256x128xi32> to vector<256x128xf32>
      %mul3A_465 = arith.mulf %slice3A_452, %convert_element_type3A_464 : vector<256x128xf32>
      %reduce_sum3A_466 = arith.constant dense<0.000000e+00> : vector<256xf32>
      %reduce_sum3A_467 = vector.multi_reduction <add>, %slice3A_452, %reduce_sum3A_466 [1] : vector<256x128xf32> to vector<256xf32>
      %broadcast_in_dim3A_468 = vector.shape_cast %reduce_sum3A_467 : vector<256xf32> to vector<256x1xf32>
      %add3A_469 = arith.addf %add3A_451, %broadcast_in_dim3A_468 : vector<256x1xf32>
      %slice3A_470 = vector.extract_strided_slice %convert_element_type3A_35 {offsets = [0, 3072], sizes = [256, 128], strides = [1, 1]} : vector<256x5120xf32> to vector<256x128xf32>
      %get3A_471 = arith.constant 0 : index
      %get3A_472 = arith.constant 0 : index
      %get3A_473 = vector.load %arg6[%get3A_471, %get3A_472] : memref<128x128xf32, #tpu.memory_space<vmem>>, vector<128x128xf32>
      %dot_general3A_474 = arith.constant dense<0.000000e+00> : vector<256x128xf32>
      %dot_general3A_475 = tpu.matmul %slice3A_470, %get3A_473, %dot_general3A_474 {dimension_numbers = #tpu.dot_dimension_numbers<[1], [0], [0], [1], [0, 0, 1, 1], [], []>, transpose_lhs_hint = false} : vector<256x128xf32>, vector<128x128xf32>, vector<256x128xf32> -> vector<256x128xf32>
      %add3A_476 = vector.broadcast %add3A_469 : vector<256x1xf32> to vector<256x128xf32>
      %add3A_477 = arith.addf %add3A_476, %dot_general3A_475 : vector<256x128xf32>
      %lt3A_478 = arith.constant 3.200000e+01 : f32
      %lt3A_479 = vector.broadcast %lt3A_478 : f32 to vector<256x128xf32>
      %lt3A_480 = arith.cmpf olt, %add3A_477, %lt3A_479 : vector<256x128xf32>
      %convert_element_type3A_481 = arith.extui %lt3A_480 : vector<256x128xi1> to vector<256x128xi32>
      %convert_element_type3A_482 = arith.sitofp %convert_element_type3A_481 : vector<256x128xi32> to vector<256x128xf32>
      %mul3A_483 = arith.mulf %slice3A_470, %convert_element_type3A_482 : vector<256x128xf32>
      %reduce_sum3A_484 = arith.constant dense<0.000000e+00> : vector<256xf32>
      %reduce_sum3A_485 = vector.multi_reduction <add>, %slice3A_470, %reduce_sum3A_484 [1] : vector<256x128xf32> to vector<256xf32>
      %broadcast_in_dim3A_486 = vector.shape_cast %reduce_sum3A_485 : vector<256xf32> to vector<256x1xf32>
      %add3A_487 = arith.addf %add3A_469, %broadcast_in_dim3A_486 : vector<256x1xf32>
      %slice3A_488 = vector.extract_strided_slice %convert_element_type3A_35 {offsets = [0, 3200], sizes = [256, 128], strides = [1, 1]} : vector<256x5120xf32> to vector<256x128xf32>
      %get3A_489 = arith.constant 0 : index
      %get3A_490 = arith.constant 0 : index
      %get3A_491 = vector.load %arg6[%get3A_489, %get3A_490] : memref<128x128xf32, #tpu.memory_space<vmem>>, vector<128x128xf32>
      %dot_general3A_492 = arith.constant dense<0.000000e+00> : vector<256x128xf32>
      %dot_general3A_493 = tpu.matmul %slice3A_488, %get3A_491, %dot_general3A_492 {dimension_numbers = #tpu.dot_dimension_numbers<[1], [0], [0], [1], [0, 0, 1, 1], [], []>, transpose_lhs_hint = false} : vector<256x128xf32>, vector<128x128xf32>, vector<256x128xf32> -> vector<256x128xf32>
      %add3A_494 = vector.broadcast %add3A_487 : vector<256x1xf32> to vector<256x128xf32>
      %add3A_495 = arith.addf %add3A_494, %dot_general3A_493 : vector<256x128xf32>
      %lt3A_496 = arith.constant 3.200000e+01 : f32
      %lt3A_497 = vector.broadcast %lt3A_496 : f32 to vector<256x128xf32>
      %lt3A_498 = arith.cmpf olt, %add3A_495, %lt3A_497 : vector<256x128xf32>
      %convert_element_type3A_499 = arith.extui %lt3A_498 : vector<256x128xi1> to vector<256x128xi32>
      %convert_element_type3A_500 = arith.sitofp %convert_element_type3A_499 : vector<256x128xi32> to vector<256x128xf32>
      %mul3A_501 = arith.mulf %slice3A_488, %convert_element_type3A_500 : vector<256x128xf32>
      %reduce_sum3A_502 = arith.constant dense<0.000000e+00> : vector<256xf32>
      %reduce_sum3A_503 = vector.multi_reduction <add>, %slice3A_488, %reduce_sum3A_502 [1] : vector<256x128xf32> to vector<256xf32>
      %broadcast_in_dim3A_504 = vector.shape_cast %reduce_sum3A_503 : vector<256xf32> to vector<256x1xf32>
      %add3A_505 = arith.addf %add3A_487, %broadcast_in_dim3A_504 : vector<256x1xf32>
      %slice3A_506 = vector.extract_strided_slice %convert_element_type3A_35 {offsets = [0, 3328], sizes = [256, 128], strides = [1, 1]} : vector<256x5120xf32> to vector<256x128xf32>
      %get3A_507 = arith.constant 0 : index
      %get3A_508 = arith.constant 0 : index
      %get3A_509 = vector.load %arg6[%get3A_507, %get3A_508] : memref<128x128xf32, #tpu.memory_space<vmem>>, vector<128x128xf32>
      %dot_general3A_510 = arith.constant dense<0.000000e+00> : vector<256x128xf32>
      %dot_general3A_511 = tpu.matmul %slice3A_506, %get3A_509, %dot_general3A_510 {dimension_numbers = #tpu.dot_dimension_numbers<[1], [0], [0], [1], [0, 0, 1, 1], [], []>, transpose_lhs_hint = false} : vector<256x128xf32>, vector<128x128xf32>, vector<256x128xf32> -> vector<256x128xf32>
      %add3A_512 = vector.broadcast %add3A_505 : vector<256x1xf32> to vector<256x128xf32>
      %add3A_513 = arith.addf %add3A_512, %dot_general3A_511 : vector<256x128xf32>
      %lt3A_514 = arith.constant 3.200000e+01 : f32
      %lt3A_515 = vector.broadcast %lt3A_514 : f32 to vector<256x128xf32>
      %lt3A_516 = arith.cmpf olt, %add3A_513, %lt3A_515 : vector<256x128xf32>
      %convert_element_type3A_517 = arith.extui %lt3A_516 : vector<256x128xi1> to vector<256x128xi32>
      %convert_element_type3A_518 = arith.sitofp %convert_element_type3A_517 : vector<256x128xi32> to vector<256x128xf32>
      %mul3A_519 = arith.mulf %slice3A_506, %convert_element_type3A_518 : vector<256x128xf32>
      %reduce_sum3A_520 = arith.constant dense<0.000000e+00> : vector<256xf32>
      %reduce_sum3A_521 = vector.multi_reduction <add>, %slice3A_506, %reduce_sum3A_520 [1] : vector<256x128xf32> to vector<256xf32>
      %broadcast_in_dim3A_522 = vector.shape_cast %reduce_sum3A_521 : vector<256xf32> to vector<256x1xf32>
      %add3A_523 = arith.addf %add3A_505, %broadcast_in_dim3A_522 : vector<256x1xf32>
      %slice3A_524 = vector.extract_strided_slice %convert_element_type3A_35 {offsets = [0, 3456], sizes = [256, 128], strides = [1, 1]} : vector<256x5120xf32> to vector<256x128xf32>
      %get3A_525 = arith.constant 0 : index
      %get3A_526 = arith.constant 0 : index
      %get3A_527 = vector.load %arg6[%get3A_525, %get3A_526] : memref<128x128xf32, #tpu.memory_space<vmem>>, vector<128x128xf32>
      %dot_general3A_528 = arith.constant dense<0.000000e+00> : vector<256x128xf32>
      %dot_general3A_529 = tpu.matmul %slice3A_524, %get3A_527, %dot_general3A_528 {dimension_numbers = #tpu.dot_dimension_numbers<[1], [0], [0], [1], [0, 0, 1, 1], [], []>, transpose_lhs_hint = false} : vector<256x128xf32>, vector<128x128xf32>, vector<256x128xf32> -> vector<256x128xf32>
      %add3A_530 = vector.broadcast %add3A_523 : vector<256x1xf32> to vector<256x128xf32>
      %add3A_531 = arith.addf %add3A_530, %dot_general3A_529 : vector<256x128xf32>
      %lt3A_532 = arith.constant 3.200000e+01 : f32
      %lt3A_533 = vector.broadcast %lt3A_532 : f32 to vector<256x128xf32>
      %lt3A_534 = arith.cmpf olt, %add3A_531, %lt3A_533 : vector<256x128xf32>
      %convert_element_type3A_535 = arith.extui %lt3A_534 : vector<256x128xi1> to vector<256x128xi32>
      %convert_element_type3A_536 = arith.sitofp %convert_element_type3A_535 : vector<256x128xi32> to vector<256x128xf32>
      %mul3A_537 = arith.mulf %slice3A_524, %convert_element_type3A_536 : vector<256x128xf32>
      %reduce_sum3A_538 = arith.constant dense<0.000000e+00> : vector<256xf32>
      %reduce_sum3A_539 = vector.multi_reduction <add>, %slice3A_524, %reduce_sum3A_538 [1] : vector<256x128xf32> to vector<256xf32>
      %broadcast_in_dim3A_540 = vector.shape_cast %reduce_sum3A_539 : vector<256xf32> to vector<256x1xf32>
      %add3A_541 = arith.addf %add3A_523, %broadcast_in_dim3A_540 : vector<256x1xf32>
      %slice3A_542 = vector.extract_strided_slice %convert_element_type3A_35 {offsets = [0, 3584], sizes = [256, 128], strides = [1, 1]} : vector<256x5120xf32> to vector<256x128xf32>
      %get3A_543 = arith.constant 0 : index
      %get3A_544 = arith.constant 0 : index
      %get3A_545 = vector.load %arg6[%get3A_543, %get3A_544] : memref<128x128xf32, #tpu.memory_space<vmem>>, vector<128x128xf32>
      %dot_general3A_546 = arith.constant dense<0.000000e+00> : vector<256x128xf32>
      %dot_general3A_547 = tpu.matmul %slice3A_542, %get3A_545, %dot_general3A_546 {dimension_numbers = #tpu.dot_dimension_numbers<[1], [0], [0], [1], [0, 0, 1, 1], [], []>, transpose_lhs_hint = false} : vector<256x128xf32>, vector<128x128xf32>, vector<256x128xf32> -> vector<256x128xf32>
      %add3A_548 = vector.broadcast %add3A_541 : vector<256x1xf32> to vector<256x128xf32>
      %add3A_549 = arith.addf %add3A_548, %dot_general3A_547 : vector<256x128xf32>
      %lt3A_550 = arith.constant 3.200000e+01 : f32
      %lt3A_551 = vector.broadcast %lt3A_550 : f32 to vector<256x128xf32>
      %lt3A_552 = arith.cmpf olt, %add3A_549, %lt3A_551 : vector<256x128xf32>
      %convert_element_type3A_553 = arith.extui %lt3A_552 : vector<256x128xi1> to vector<256x128xi32>
      %convert_element_type3A_554 = arith.sitofp %convert_element_type3A_553 : vector<256x128xi32> to vector<256x128xf32>
      %mul3A_555 = arith.mulf %slice3A_542, %convert_element_type3A_554 : vector<256x128xf32>
      %reduce_sum3A_556 = arith.constant dense<0.000000e+00> : vector<256xf32>
      %reduce_sum3A_557 = vector.multi_reduction <add>, %slice3A_542, %reduce_sum3A_556 [1] : vector<256x128xf32> to vector<256xf32>
      %broadcast_in_dim3A_558 = vector.shape_cast %reduce_sum3A_557 : vector<256xf32> to vector<256x1xf32>
      %add3A_559 = arith.addf %add3A_541, %broadcast_in_dim3A_558 : vector<256x1xf32>
      %slice3A_560 = vector.extract_strided_slice %convert_element_type3A_35 {offsets = [0, 3712], sizes = [256, 128], strides = [1, 1]} : vector<256x5120xf32> to vector<256x128xf32>
      %get3A_561 = arith.constant 0 : index
      %get3A_562 = arith.constant 0 : index
      %get3A_563 = vector.load %arg6[%get3A_561, %get3A_562] : memref<128x128xf32, #tpu.memory_space<vmem>>, vector<128x128xf32>
      %dot_general3A_564 = arith.constant dense<0.000000e+00> : vector<256x128xf32>
      %dot_general3A_565 = tpu.matmul %slice3A_560, %get3A_563, %dot_general3A_564 {dimension_numbers = #tpu.dot_dimension_numbers<[1], [0], [0], [1], [0, 0, 1, 1], [], []>, transpose_lhs_hint = false} : vector<256x128xf32>, vector<128x128xf32>, vector<256x128xf32> -> vector<256x128xf32>
      %add3A_566 = vector.broadcast %add3A_559 : vector<256x1xf32> to vector<256x128xf32>
      %add3A_567 = arith.addf %add3A_566, %dot_general3A_565 : vector<256x128xf32>
      %lt3A_568 = arith.constant 3.200000e+01 : f32
      %lt3A_569 = vector.broadcast %lt3A_568 : f32 to vector<256x128xf32>
      %lt3A_570 = arith.cmpf olt, %add3A_567, %lt3A_569 : vector<256x128xf32>
      %convert_element_type3A_571 = arith.extui %lt3A_570 : vector<256x128xi1> to vector<256x128xi32>
      %convert_element_type3A_572 = arith.sitofp %convert_element_type3A_571 : vector<256x128xi32> to vector<256x128xf32>
      %mul3A_573 = arith.mulf %slice3A_560, %convert_element_type3A_572 : vector<256x128xf32>
      %reduce_sum3A_574 = arith.constant dense<0.000000e+00> : vector<256xf32>
      %reduce_sum3A_575 = vector.multi_reduction <add>, %slice3A_560, %reduce_sum3A_574 [1] : vector<256x128xf32> to vector<256xf32>
      %broadcast_in_dim3A_576 = vector.shape_cast %reduce_sum3A_575 : vector<256xf32> to vector<256x1xf32>
      %add3A_577 = arith.addf %add3A_559, %broadcast_in_dim3A_576 : vector<256x1xf32>
      %slice3A_578 = vector.extract_strided_slice %convert_element_type3A_35 {offsets = [0, 3840], sizes = [256, 128], strides = [1, 1]} : vector<256x5120xf32> to vector<256x128xf32>
      %get3A_579 = arith.constant 0 : index
      %get3A_580 = arith.constant 0 : index
      %get3A_581 = vector.load %arg6[%get3A_579, %get3A_580] : memref<128x128xf32, #tpu.memory_space<vmem>>, vector<128x128xf32>
      %dot_general3A_582 = arith.constant dense<0.000000e+00> : vector<256x128xf32>
      %dot_general3A_583 = tpu.matmul %slice3A_578, %get3A_581, %dot_general3A_582 {dimension_numbers = #tpu.dot_dimension_numbers<[1], [0], [0], [1], [0, 0, 1, 1], [], []>, transpose_lhs_hint = false} : vector<256x128xf32>, vector<128x128xf32>, vector<256x128xf32> -> vector<256x128xf32>
      %add3A_584 = vector.broadcast %add3A_577 : vector<256x1xf32> to vector<256x128xf32>
      %add3A_585 = arith.addf %add3A_584, %dot_general3A_583 : vector<256x128xf32>
      %lt3A_586 = arith.constant 3.200000e+01 : f32
      %lt3A_587 = vector.broadcast %lt3A_586 : f32 to vector<256x128xf32>
      %lt3A_588 = arith.cmpf olt, %add3A_585, %lt3A_587 : vector<256x128xf32>
      %convert_element_type3A_589 = arith.extui %lt3A_588 : vector<256x128xi1> to vector<256x128xi32>
      %convert_element_type3A_590 = arith.sitofp %convert_element_type3A_589 : vector<256x128xi32> to vector<256x128xf32>
      %mul3A_591 = arith.mulf %slice3A_578, %convert_element_type3A_590 : vector<256x128xf32>
      %reduce_sum3A_592 = arith.constant dense<0.000000e+00> : vector<256xf32>
      %reduce_sum3A_593 = vector.multi_reduction <add>, %slice3A_578, %reduce_sum3A_592 [1] : vector<256x128xf32> to vector<256xf32>
      %broadcast_in_dim3A_594 = vector.shape_cast %reduce_sum3A_593 : vector<256xf32> to vector<256x1xf32>
      %add3A_595 = arith.addf %add3A_577, %broadcast_in_dim3A_594 : vector<256x1xf32>
      %slice3A_596 = vector.extract_strided_slice %convert_element_type3A_35 {offsets = [0, 3968], sizes = [256, 128], strides = [1, 1]} : vector<256x5120xf32> to vector<256x128xf32>
      %get3A_597 = arith.constant 0 : index
      %get3A_598 = arith.constant 0 : index
      %get3A_599 = vector.load %arg6[%get3A_597, %get3A_598] : memref<128x128xf32, #tpu.memory_space<vmem>>, vector<128x128xf32>
      %dot_general3A_600 = arith.constant dense<0.000000e+00> : vector<256x128xf32>
      %dot_general3A_601 = tpu.matmul %slice3A_596, %get3A_599, %dot_general3A_600 {dimension_numbers = #tpu.dot_dimension_numbers<[1], [0], [0], [1], [0, 0, 1, 1], [], []>, transpose_lhs_hint = false} : vector<256x128xf32>, vector<128x128xf32>, vector<256x128xf32> -> vector<256x128xf32>
      %add3A_602 = vector.broadcast %add3A_595 : vector<256x1xf32> to vector<256x128xf32>
      %add3A_603 = arith.addf %add3A_602, %dot_general3A_601 : vector<256x128xf32>
      %lt3A_604 = arith.constant 3.200000e+01 : f32
      %lt3A_605 = vector.broadcast %lt3A_604 : f32 to vector<256x128xf32>
      %lt3A_606 = arith.cmpf olt, %add3A_603, %lt3A_605 : vector<256x128xf32>
      %convert_element_type3A_607 = arith.extui %lt3A_606 : vector<256x128xi1> to vector<256x128xi32>
      %convert_element_type3A_608 = arith.sitofp %convert_element_type3A_607 : vector<256x128xi32> to vector<256x128xf32>
      %mul3A_609 = arith.mulf %slice3A_596, %convert_element_type3A_608 : vector<256x128xf32>
      %reduce_sum3A_610 = arith.constant dense<0.000000e+00> : vector<256xf32>
      %reduce_sum3A_611 = vector.multi_reduction <add>, %slice3A_596, %reduce_sum3A_610 [1] : vector<256x128xf32> to vector<256xf32>
      %broadcast_in_dim3A_612 = vector.shape_cast %reduce_sum3A_611 : vector<256xf32> to vector<256x1xf32>
      %add3A_613 = arith.addf %add3A_595, %broadcast_in_dim3A_612 : vector<256x1xf32>
      %slice3A_614 = vector.extract_strided_slice %convert_element_type3A_35 {offsets = [0, 4096], sizes = [256, 128], strides = [1, 1]} : vector<256x5120xf32> to vector<256x128xf32>
      %get3A_615 = arith.constant 0 : index
      %get3A_616 = arith.constant 0 : index
      %get3A_617 = vector.load %arg6[%get3A_615, %get3A_616] : memref<128x128xf32, #tpu.memory_space<vmem>>, vector<128x128xf32>
      %dot_general3A_618 = arith.constant dense<0.000000e+00> : vector<256x128xf32>
      %dot_general3A_619 = tpu.matmul %slice3A_614, %get3A_617, %dot_general3A_618 {dimension_numbers = #tpu.dot_dimension_numbers<[1], [0], [0], [1], [0, 0, 1, 1], [], []>, transpose_lhs_hint = false} : vector<256x128xf32>, vector<128x128xf32>, vector<256x128xf32> -> vector<256x128xf32>
      %add3A_620 = vector.broadcast %add3A_613 : vector<256x1xf32> to vector<256x128xf32>
      %add3A_621 = arith.addf %add3A_620, %dot_general3A_619 : vector<256x128xf32>
      %lt3A_622 = arith.constant 3.200000e+01 : f32
      %lt3A_623 = vector.broadcast %lt3A_622 : f32 to vector<256x128xf32>
      %lt3A_624 = arith.cmpf olt, %add3A_621, %lt3A_623 : vector<256x128xf32>
      %convert_element_type3A_625 = arith.extui %lt3A_624 : vector<256x128xi1> to vector<256x128xi32>
      %convert_element_type3A_626 = arith.sitofp %convert_element_type3A_625 : vector<256x128xi32> to vector<256x128xf32>
      %mul3A_627 = arith.mulf %slice3A_614, %convert_element_type3A_626 : vector<256x128xf32>
      %reduce_sum3A_628 = arith.constant dense<0.000000e+00> : vector<256xf32>
      %reduce_sum3A_629 = vector.multi_reduction <add>, %slice3A_614, %reduce_sum3A_628 [1] : vector<256x128xf32> to vector<256xf32>
      %broadcast_in_dim3A_630 = vector.shape_cast %reduce_sum3A_629 : vector<256xf32> to vector<256x1xf32>
      %add3A_631 = arith.addf %add3A_613, %broadcast_in_dim3A_630 : vector<256x1xf32>
      %slice3A_632 = vector.extract_strided_slice %convert_element_type3A_35 {offsets = [0, 4224], sizes = [256, 128], strides = [1, 1]} : vector<256x5120xf32> to vector<256x128xf32>
      %get3A_633 = arith.constant 0 : index
      %get3A_634 = arith.constant 0 : index
      %get3A_635 = vector.load %arg6[%get3A_633, %get3A_634] : memref<128x128xf32, #tpu.memory_space<vmem>>, vector<128x128xf32>
      %dot_general3A_636 = arith.constant dense<0.000000e+00> : vector<256x128xf32>
      %dot_general3A_637 = tpu.matmul %slice3A_632, %get3A_635, %dot_general3A_636 {dimension_numbers = #tpu.dot_dimension_numbers<[1], [0], [0], [1], [0, 0, 1, 1], [], []>, transpose_lhs_hint = false} : vector<256x128xf32>, vector<128x128xf32>, vector<256x128xf32> -> vector<256x128xf32>
      %add3A_638 = vector.broadcast %add3A_631 : vector<256x1xf32> to vector<256x128xf32>
      %add3A_639 = arith.addf %add3A_638, %dot_general3A_637 : vector<256x128xf32>
      %lt3A_640 = arith.constant 3.200000e+01 : f32
      %lt3A_641 = vector.broadcast %lt3A_640 : f32 to vector<256x128xf32>
      %lt3A_642 = arith.cmpf olt, %add3A_639, %lt3A_641 : vector<256x128xf32>
      %convert_element_type3A_643 = arith.extui %lt3A_642 : vector<256x128xi1> to vector<256x128xi32>
      %convert_element_type3A_644 = arith.sitofp %convert_element_type3A_643 : vector<256x128xi32> to vector<256x128xf32>
      %mul3A_645 = arith.mulf %slice3A_632, %convert_element_type3A_644 : vector<256x128xf32>
      %reduce_sum3A_646 = arith.constant dense<0.000000e+00> : vector<256xf32>
      %reduce_sum3A_647 = vector.multi_reduction <add>, %slice3A_632, %reduce_sum3A_646 [1] : vector<256x128xf32> to vector<256xf32>
      %broadcast_in_dim3A_648 = vector.shape_cast %reduce_sum3A_647 : vector<256xf32> to vector<256x1xf32>
      %add3A_649 = arith.addf %add3A_631, %broadcast_in_dim3A_648 : vector<256x1xf32>
      %slice3A_650 = vector.extract_strided_slice %convert_element_type3A_35 {offsets = [0, 4352], sizes = [256, 128], strides = [1, 1]} : vector<256x5120xf32> to vector<256x128xf32>
      %get3A_651 = arith.constant 0 : index
      %get3A_652 = arith.constant 0 : index
      %get3A_653 = vector.load %arg6[%get3A_651, %get3A_652] : memref<128x128xf32, #tpu.memory_space<vmem>>, vector<128x128xf32>
      %dot_general3A_654 = arith.constant dense<0.000000e+00> : vector<256x128xf32>
      %dot_general3A_655 = tpu.matmul %slice3A_650, %get3A_653, %dot_general3A_654 {dimension_numbers = #tpu.dot_dimension_numbers<[1], [0], [0], [1], [0, 0, 1, 1], [], []>, transpose_lhs_hint = false} : vector<256x128xf32>, vector<128x128xf32>, vector<256x128xf32> -> vector<256x128xf32>
      %add3A_656 = vector.broadcast %add3A_649 : vector<256x1xf32> to vector<256x128xf32>
      %add3A_657 = arith.addf %add3A_656, %dot_general3A_655 : vector<256x128xf32>
      %lt3A_658 = arith.constant 3.200000e+01 : f32
      %lt3A_659 = vector.broadcast %lt3A_658 : f32 to vector<256x128xf32>
      %lt3A_660 = arith.cmpf olt, %add3A_657, %lt3A_659 : vector<256x128xf32>
      %convert_element_type3A_661 = arith.extui %lt3A_660 : vector<256x128xi1> to vector<256x128xi32>
      %convert_element_type3A_662 = arith.sitofp %convert_element_type3A_661 : vector<256x128xi32> to vector<256x128xf32>
      %mul3A_663 = arith.mulf %slice3A_650, %convert_element_type3A_662 : vector<256x128xf32>
      %reduce_sum3A_664 = arith.constant dense<0.000000e+00> : vector<256xf32>
      %reduce_sum3A_665 = vector.multi_reduction <add>, %slice3A_650, %reduce_sum3A_664 [1] : vector<256x128xf32> to vector<256xf32>
      %broadcast_in_dim3A_666 = vector.shape_cast %reduce_sum3A_665 : vector<256xf32> to vector<256x1xf32>
      %add3A_667 = arith.addf %add3A_649, %broadcast_in_dim3A_666 : vector<256x1xf32>
      %slice3A_668 = vector.extract_strided_slice %convert_element_type3A_35 {offsets = [0, 4480], sizes = [256, 128], strides = [1, 1]} : vector<256x5120xf32> to vector<256x128xf32>
      %get3A_669 = arith.constant 0 : index
      %get3A_670 = arith.constant 0 : index
      %get3A_671 = vector.load %arg6[%get3A_669, %get3A_670] : memref<128x128xf32, #tpu.memory_space<vmem>>, vector<128x128xf32>
      %dot_general3A_672 = arith.constant dense<0.000000e+00> : vector<256x128xf32>
      %dot_general3A_673 = tpu.matmul %slice3A_668, %get3A_671, %dot_general3A_672 {dimension_numbers = #tpu.dot_dimension_numbers<[1], [0], [0], [1], [0, 0, 1, 1], [], []>, transpose_lhs_hint = false} : vector<256x128xf32>, vector<128x128xf32>, vector<256x128xf32> -> vector<256x128xf32>
      %add3A_674 = vector.broadcast %add3A_667 : vector<256x1xf32> to vector<256x128xf32>
      %add3A_675 = arith.addf %add3A_674, %dot_general3A_673 : vector<256x128xf32>
      %lt3A_676 = arith.constant 3.200000e+01 : f32
      %lt3A_677 = vector.broadcast %lt3A_676 : f32 to vector<256x128xf32>
      %lt3A_678 = arith.cmpf olt, %add3A_675, %lt3A_677 : vector<256x128xf32>
      %convert_element_type3A_679 = arith.extui %lt3A_678 : vector<256x128xi1> to vector<256x128xi32>
      %convert_element_type3A_680 = arith.sitofp %convert_element_type3A_679 : vector<256x128xi32> to vector<256x128xf32>
      %mul3A_681 = arith.mulf %slice3A_668, %convert_element_type3A_680 : vector<256x128xf32>
      %reduce_sum3A_682 = arith.constant dense<0.000000e+00> : vector<256xf32>
      %reduce_sum3A_683 = vector.multi_reduction <add>, %slice3A_668, %reduce_sum3A_682 [1] : vector<256x128xf32> to vector<256xf32>
      %broadcast_in_dim3A_684 = vector.shape_cast %reduce_sum3A_683 : vector<256xf32> to vector<256x1xf32>
      %add3A_685 = arith.addf %add3A_667, %broadcast_in_dim3A_684 : vector<256x1xf32>
      %slice3A_686 = vector.extract_strided_slice %convert_element_type3A_35 {offsets = [0, 4608], sizes = [256, 128], strides = [1, 1]} : vector<256x5120xf32> to vector<256x128xf32>
      %get3A_687 = arith.constant 0 : index
      %get3A_688 = arith.constant 0 : index
      %get3A_689 = vector.load %arg6[%get3A_687, %get3A_688] : memref<128x128xf32, #tpu.memory_space<vmem>>, vector<128x128xf32>
      %dot_general3A_690 = arith.constant dense<0.000000e+00> : vector<256x128xf32>
      %dot_general3A_691 = tpu.matmul %slice3A_686, %get3A_689, %dot_general3A_690 {dimension_numbers = #tpu.dot_dimension_numbers<[1], [0], [0], [1], [0, 0, 1, 1], [], []>, transpose_lhs_hint = false} : vector<256x128xf32>, vector<128x128xf32>, vector<256x128xf32> -> vector<256x128xf32>
      %add3A_692 = vector.broadcast %add3A_685 : vector<256x1xf32> to vector<256x128xf32>
      %add3A_693 = arith.addf %add3A_692, %dot_general3A_691 : vector<256x128xf32>
      %lt3A_694 = arith.constant 3.200000e+01 : f32
      %lt3A_695 = vector.broadcast %lt3A_694 : f32 to vector<256x128xf32>
      %lt3A_696 = arith.cmpf olt, %add3A_693, %lt3A_695 : vector<256x128xf32>
      %convert_element_type3A_697 = arith.extui %lt3A_696 : vector<256x128xi1> to vector<256x128xi32>
      %convert_element_type3A_698 = arith.sitofp %convert_element_type3A_697 : vector<256x128xi32> to vector<256x128xf32>
      %mul3A_699 = arith.mulf %slice3A_686, %convert_element_type3A_698 : vector<256x128xf32>
      %reduce_sum3A_700 = arith.constant dense<0.000000e+00> : vector<256xf32>
      %reduce_sum3A_701 = vector.multi_reduction <add>, %slice3A_686, %reduce_sum3A_700 [1] : vector<256x128xf32> to vector<256xf32>
      %broadcast_in_dim3A_702 = vector.shape_cast %reduce_sum3A_701 : vector<256xf32> to vector<256x1xf32>
      %add3A_703 = arith.addf %add3A_685, %broadcast_in_dim3A_702 : vector<256x1xf32>
      %slice3A_704 = vector.extract_strided_slice %convert_element_type3A_35 {offsets = [0, 4736], sizes = [256, 128], strides = [1, 1]} : vector<256x5120xf32> to vector<256x128xf32>
      %get3A_705 = arith.constant 0 : index
      %get3A_706 = arith.constant 0 : index
      %get3A_707 = vector.load %arg6[%get3A_705, %get3A_706] : memref<128x128xf32, #tpu.memory_space<vmem>>, vector<128x128xf32>
      %dot_general3A_708 = arith.constant dense<0.000000e+00> : vector<256x128xf32>
      %dot_general3A_709 = tpu.matmul %slice3A_704, %get3A_707, %dot_general3A_708 {dimension_numbers = #tpu.dot_dimension_numbers<[1], [0], [0], [1], [0, 0, 1, 1], [], []>, transpose_lhs_hint = false} : vector<256x128xf32>, vector<128x128xf32>, vector<256x128xf32> -> vector<256x128xf32>
      %add3A_710 = vector.broadcast %add3A_703 : vector<256x1xf32> to vector<256x128xf32>
      %add3A_711 = arith.addf %add3A_710, %dot_general3A_709 : vector<256x128xf32>
      %lt3A_712 = arith.constant 3.200000e+01 : f32
      %lt3A_713 = vector.broadcast %lt3A_712 : f32 to vector<256x128xf32>
      %lt3A_714 = arith.cmpf olt, %add3A_711, %lt3A_713 : vector<256x128xf32>
      %convert_element_type3A_715 = arith.extui %lt3A_714 : vector<256x128xi1> to vector<256x128xi32>
      %convert_element_type3A_716 = arith.sitofp %convert_element_type3A_715 : vector<256x128xi32> to vector<256x128xf32>
      %mul3A_717 = arith.mulf %slice3A_704, %convert_element_type3A_716 : vector<256x128xf32>
      %reduce_sum3A_718 = arith.constant dense<0.000000e+00> : vector<256xf32>
      %reduce_sum3A_719 = vector.multi_reduction <add>, %slice3A_704, %reduce_sum3A_718 [1] : vector<256x128xf32> to vector<256xf32>
      %broadcast_in_dim3A_720 = vector.shape_cast %reduce_sum3A_719 : vector<256xf32> to vector<256x1xf32>
      %add3A_721 = arith.addf %add3A_703, %broadcast_in_dim3A_720 : vector<256x1xf32>
      %slice3A_722 = vector.extract_strided_slice %convert_element_type3A_35 {offsets = [0, 4864], sizes = [256, 128], strides = [1, 1]} : vector<256x5120xf32> to vector<256x128xf32>
      %get3A_723 = arith.constant 0 : index
      %get3A_724 = arith.constant 0 : index
      %get3A_725 = vector.load %arg6[%get3A_723, %get3A_724] : memref<128x128xf32, #tpu.memory_space<vmem>>, vector<128x128xf32>
      %dot_general3A_726 = arith.constant dense<0.000000e+00> : vector<256x128xf32>
      %dot_general3A_727 = tpu.matmul %slice3A_722, %get3A_725, %dot_general3A_726 {dimension_numbers = #tpu.dot_dimension_numbers<[1], [0], [0], [1], [0, 0, 1, 1], [], []>, transpose_lhs_hint = false} : vector<256x128xf32>, vector<128x128xf32>, vector<256x128xf32> -> vector<256x128xf32>
      %add3A_728 = vector.broadcast %add3A_721 : vector<256x1xf32> to vector<256x128xf32>
      %add3A_729 = arith.addf %add3A_728, %dot_general3A_727 : vector<256x128xf32>
      %lt3A_730 = arith.constant 3.200000e+01 : f32
      %lt3A_731 = vector.broadcast %lt3A_730 : f32 to vector<256x128xf32>
      %lt3A_732 = arith.cmpf olt, %add3A_729, %lt3A_731 : vector<256x128xf32>
      %convert_element_type3A_733 = arith.extui %lt3A_732 : vector<256x128xi1> to vector<256x128xi32>
      %convert_element_type3A_734 = arith.sitofp %convert_element_type3A_733 : vector<256x128xi32> to vector<256x128xf32>
      %mul3A_735 = arith.mulf %slice3A_722, %convert_element_type3A_734 : vector<256x128xf32>
      %reduce_sum3A_736 = arith.constant dense<0.000000e+00> : vector<256xf32>
      %reduce_sum3A_737 = vector.multi_reduction <add>, %slice3A_722, %reduce_sum3A_736 [1] : vector<256x128xf32> to vector<256xf32>
      %broadcast_in_dim3A_738 = vector.shape_cast %reduce_sum3A_737 : vector<256xf32> to vector<256x1xf32>
      %add3A_739 = arith.addf %add3A_721, %broadcast_in_dim3A_738 : vector<256x1xf32>
      %slice3A_740 = vector.extract_strided_slice %convert_element_type3A_35 {offsets = [0, 4992], sizes = [256, 128], strides = [1, 1]} : vector<256x5120xf32> to vector<256x128xf32>
      %get3A_741 = arith.constant 0 : index
      %get3A_742 = arith.constant 0 : index
      %get3A_743 = vector.load %arg6[%get3A_741, %get3A_742] : memref<128x128xf32, #tpu.memory_space<vmem>>, vector<128x128xf32>
      %dot_general3A_744 = arith.constant dense<0.000000e+00> : vector<256x128xf32>
      %dot_general3A_745 = tpu.matmul %slice3A_740, %get3A_743, %dot_general3A_744 {dimension_numbers = #tpu.dot_dimension_numbers<[1], [0], [0], [1], [0, 0, 1, 1], [], []>, transpose_lhs_hint = false} : vector<256x128xf32>, vector<128x128xf32>, vector<256x128xf32> -> vector<256x128xf32>
      %add3A_746 = vector.broadcast %add3A_739 : vector<256x1xf32> to vector<256x128xf32>
      %add3A_747 = arith.addf %add3A_746, %dot_general3A_745 : vector<256x128xf32>
      %lt3A_748 = arith.constant 3.200000e+01 : f32
      %lt3A_749 = vector.broadcast %lt3A_748 : f32 to vector<256x128xf32>
      %lt3A_750 = arith.cmpf olt, %add3A_747, %lt3A_749 : vector<256x128xf32>
      %convert_element_type3A_751 = arith.extui %lt3A_750 : vector<256x128xi1> to vector<256x128xi32>
      %convert_element_type3A_752 = arith.sitofp %convert_element_type3A_751 : vector<256x128xi32> to vector<256x128xf32>
      %mul3A_753 = arith.mulf %slice3A_740, %convert_element_type3A_752 : vector<256x128xf32>
      %reduce_sum3A_754 = arith.constant dense<0.000000e+00> : vector<256xf32>
      %reduce_sum3A_755 = vector.multi_reduction <add>, %slice3A_740, %reduce_sum3A_754 [1] : vector<256x128xf32> to vector<256xf32>
      %broadcast_in_dim3A_756 = vector.shape_cast %reduce_sum3A_755 : vector<256xf32> to vector<256x1xf32>
      %add3A_757 = arith.addf %add3A_739, %broadcast_in_dim3A_756 : vector<256x1xf32>
      %concatenate3A = tpu.concatenate %mul3A_51, %mul3A_69, %mul3A_87, %mul3A_105, %mul3A_123, %mul3A_141, %mul3A_159, %mul3A_177, %mul3A_195, %mul3A_213, %mul3A_231, %mul3A_249, %mul3A_267, %mul3A_285, %mul3A_303, %mul3A_321, %mul3A_339, %mul3A_357, %mul3A_375, %mul3A_393, %mul3A_411, %mul3A_429, %mul3A_447, %mul3A_465, %mul3A_483, %mul3A_501, %mul3A_519, %mul3A_537, %mul3A_555, %mul3A_573, %mul3A_591, %mul3A_609, %mul3A_627, %mul3A_645, %mul3A_663, %mul3A_681, %mul3A_699, %mul3A_717, %mul3A_735, %mul3A_753 in 1 : vector<256x128xf32>, vector<256x128xf32>, vector<256x128xf32>, vector<256x128xf32>, vector<256x128xf32>, vector<256x128xf32>, vector<256x128xf32>, vector<256x128xf32>, vector<256x128xf32>, vector<256x128xf32>, vector<256x128xf32>, vector<256x128xf32>, vector<256x128xf32>, vector<256x128xf32>, vector<256x128xf32>, vector<256x128xf32>, vector<256x128xf32>, vector<256x128xf32>, vector<256x128xf32>, vector<256x128xf32>, vector<256x128xf32>, vector<256x128xf32>, vector<256x128xf32>, vector<256x128xf32>, vector<256x128xf32>, vector<256x128xf32>, vector<256x128xf32>, vector<256x128xf32>, vector<256x128xf32>, vector<256x128xf32>, vector<256x128xf32>, vector<256x128xf32>, vector<256x128xf32>, vector<256x128xf32>, vector<256x128xf32>, vector<256x128xf32>, vector<256x128xf32>, vector<256x128xf32>, vector<256x128xf32>, vector<256x128xf32> -> vector<256x5120xf32>
      %convert_element_type3A_758 = arith.truncf %concatenate3A : vector<256x5120xf32> to vector<256x5120xbf16>
      %get3A_759 = arith.constant 0 : index
      %get3A_760 = arith.constant 0 : index
      %get3A_761 = vector.load %arg8[%get3A_759, %get3A_760] : memref<256x128xf32, #tpu.memory_space<vmem>>, vector<256x128xf32>
      %get3A_762 = arith.constant 0 : index
      %get3A_763 = arith.constant 0 : index
      %get3A_764 = vector.load %arg4[%get3A_762, %get3A_763] : memref<5120x128xbf16, #tpu.memory_space<vmem>>, vector<5120x128xbf16>
      %dot_general3A_765 = arith.constant dense<0.000000e+00> : vector<256x128xf32>
      %dot_general3A_766 = tpu.matmul %convert_element_type3A_758, %get3A_764, %dot_general3A_765 {dimension_numbers = #tpu.dot_dimension_numbers<[1], [0], [0], [1], [0, 0, 1, 1], [], []>, transpose_lhs_hint = false} : vector<256x5120xbf16>, vector<5120x128xbf16>, vector<256x128xf32> -> vector<256x128xf32>
      %add3A_767 = arith.addf %get3A_761, %dot_general3A_766 : vector<256x128xf32>
      %swap3A = arith.constant 0 : index
      %swap3A_768 = arith.constant 0 : index
      %swap3A_769 = vector.load %arg8[%swap3A, %swap3A_768] : memref<256x128xf32, #tpu.memory_space<vmem>>, vector<256x128xf32>
      tpu.vector_store %arg8[%swap3A, %swap3A_768], %add3A_767 {strides = array<i32>} : memref<256x128xf32, #tpu.memory_space<vmem>>, vector<256x128xf32>,
      %swap3A_770 = arith.constant 0 : index
      %swap3A_771 = arith.constant 0 : index
      %swap3A_772 = vector.load %arg9[%swap3A_770, %swap3A_771] : memref<256x1xf32, #tpu.memory_space<vmem>>, vector<256x1xf32>
      tpu.vector_store %arg9[%swap3A_770, %swap3A_771], %add3A_757 {strides = array<i32>} : memref<256x1xf32, #tpu.memory_space<vmem>>, vector<256x1xf32>,
      %reduce_min3A = vector.shape_cast %add3A_757 : vector<256x1xf32> to vector<1x256x1xf32>
      %reduce_min3A_773 = arith.constant dense<0x7F800000> : vector<1xf32>
      %reduce_min3A_774 = vector.multi_reduction <minimumf>, %reduce_min3A, %reduce_min3A_773 [1, 2] : vector<1x256x1xf32> to vector<1xf32>
      %reduce_min3A_775 = vector.shape_cast %reduce_min3A_774 : vector<1xf32> to vector<1x1x1xf32>
      %reduce_min3A_776 = vector.extract %reduce_min3A_775[0, 0, 0] : f32 from vector<1x1x1xf32>
      %swap3A_777 = arith.constant 0 : index
      %swap3A_778 = arith.constant 0 : index
      %swap3A_779 = memref.load %arg10[%swap3A_777, %swap3A_778] : memref<1x1xf32, #tpu.memory_space<smem>>
      memref.store %reduce_min3A_776, %arg10[%swap3A_777, %swap3A_778] : memref<1x1xf32, #tpu.memory_space<smem>>
    } else {
    }
    %eq3A_8 = arith.constant 1 : i32
    %eq3A_9 = arith.cmpi eq, %arg1, %eq3A_8 : i32
    %convert_element_type3A_10 = arith.extui %eq3A_9 : i1 to i32
    %cond3A_11 = arith.constant 0 : i32
    %cond3A_12 = arith.cmpi ne, %convert_element_type3A_10, %cond3A_11 : i32
    scf.if %cond3A_12 {
      %get3A_13 = arith.constant 0 : index
      %get3A_14 = arith.constant 0 : index
      %get3A_15 = vector.load %arg9[%get3A_13, %get3A_14] : memref<256x1xf32, #tpu.memory_space<vmem>>, vector<256x1xf32>
      %min3A = arith.constant 3.200000e+01 : f32
      %min3A_16 = vector.broadcast %min3A : f32 to vector<256x1xf32>
      %min3A_17 = arith.minimumf %get3A_15, %min3A_16 : vector<256x1xf32>
      %max3A = arith.constant 1.000000e+00 : f32
      %max3A_18 = vector.broadcast %max3A : f32 to vector<256x1xf32>
      %max3A_19 = arith.maximumf %min3A_17, %max3A_18 : vector<256x1xf32>
      %get3A_20 = arith.constant 0 : index
      %get3A_21 = arith.constant 0 : index
      %get3A_22 = vector.load %arg8[%get3A_20, %get3A_21] : memref<256x128xf32, #tpu.memory_space<vmem>>, vector<256x128xf32>
      %div3A = vector.broadcast %max3A_19 : vector<256x1xf32> to vector<256x128xf32>
      %div3A_23 = arith.divf %get3A_22, %div3A : vector<256x128xf32>
      %get3A_24 = arith.constant 0 : index
      %get3A_25 = arith.constant 0 : index
      %get3A_26 = vector.load %arg5[%get3A_24, %get3A_25] : memref<1x128xf32, #tpu.memory_space<vmem>>, vector<1x128xf32>
      %add3A = vector.broadcast %get3A_26 : vector<1x128xf32> to vector<256x128xf32>
      %add3A_27 = arith.addf %div3A_23, %add3A : vector<256x128xf32>
      %swap3A = arith.constant 0 : index
      %swap3A_28 = arith.constant 0 : index
      %swap3A_29 = vector.load %arg7[%swap3A, %swap3A_28] : memref<256x128xf32, #tpu.memory_space<vmem>>, vector<256x128xf32>
      tpu.vector_store %arg7[%swap3A, %swap3A_28], %add3A_27 {strides = array<i32>} : memref<256x128xf32, #tpu.memory_space<vmem>>, vector<256x128xf32>,
    } else {
    }
    return
  }
  func.func @transform_0(%arg0: i32, %arg1: i32) -> (i32, i32) {
    %c0_i32 = arith.constant 0 : i32
    %c0_i32_0 = arith.constant 0 : i32
    return %arg0, %c0_i32 : i32, i32
  }
  func.func @transform_1(%arg0: i32, %arg1: i32) -> (i32, i32) {
    %c0_i32 = arith.constant 0 : i32
    %c0_i32_0 = arith.constant 0 : i32
    return %c0_i32, %arg1 : i32, i32
  }
  func.func @transform_2(%arg0: i32, %arg1: i32) -> (i32, i32) {
    %c0_i32 = arith.constant 0 : i32
    %c0_i32_0 = arith.constant 0 : i32
    return %arg1, %c0_i32 : i32, i32
  }
  func.func @transform_3(%arg0: i32, %arg1: i32) -> (i32, i32) {
    %c0_i32 = arith.constant 0 : i32
    %c0_i32_0 = arith.constant 0 : i32
    %c0_i32_1 = arith.constant 0 : i32
    return %c0_i32, %c0_i32_0 : i32, i32
  }
  func.func @transform_4(%arg0: i32, %arg1: i32) -> (i32, i32) {
    %c0_i32 = arith.constant 0 : i32
    %c0_i32_0 = arith.constant 0 : i32
    %c0_i32_1 = arith.constant 0 : i32
    return %c0_i32, %c0_i32_0 : i32, i32
  }
  func.func @transform_5(%arg0: i32, %arg1: i32) -> (i32, i32) {
    %c0_i32 = arith.constant 0 : i32
    %c0_i32_0 = arith.constant 0 : i32
    return %arg0, %c0_i32 : i32, i32
  }
}

</mosaic_0001>

<sc_bundles>
// kernel: kernel.6.cloned.1.call-start
scs
__scs_entry_jumppad:
0x0: {  	(pc) =	sbr.rel $0x88, $3  }
0x1: {  	(tag) =	ssettag $0x0;
	lr =	simm.s32 $0x1  }
0x2: {  	[smem:$0x3F9B] =	sst lr;
	_ =	strace $0xD0000000  }
0x3: {  	_ = 	snop  }
0x4: {  	_ = 	snop  }
0x5: {  	_ = 	snop  }
0x6: {  	_ = 	snop  }
0x7: {  	_ = 	snop  }
__scs_overlays_trampoline_lowered:
0x8: {  	[smem:$0x3FAA] =	sst s0  }
0x9: {  	[smem:$0x3FAB] =	sst s1  }
0xa: {  	[smem:$0x3FAC] =	sst s2  }
0xb: {  	[smem:$0x3FAD] =	sst s3  }
0xc: {  	[smem:$0x3FAE] =	sst s4  }
0xd: {  	[smem:$0x3FAF] =	sst s5  }
0xe: {  	[smem:$0x3FB0] =	sst s6  }
0xf: {  	[smem:$0x3FB1] =	sst s7  }
0x10: {  	[smem:$0x3FB2] =	sst s8  }
0x11: {  	[smem:$0x3FB3] =	sst s9;
	s0 =	simm.s32 @!p0 $0x0  }
0x12: {  	s1 =	sld [smem:$0x3F99];
	s0 =	simm.s32 @p0 $0x1  }
0x13: {  	[smem:$0x3FB4] =	sst s0;
	s0 =	simm.s32 @!p1 $0x0  }
0x14: {  	s2 =	sld [smem:$0x3F98];
	s0 =	simm.s32 @p1 $0x1  }
0x15: {  	[smem:$0x3FB5] =	sst s0;
	s0 =	simm.s32 @!p2 $0x0  }
0x16: {  	s3 =	sld [smem:$0x3FDB];
	s0 =	simm.s32 @p2 $0x1  }
0x17: {  	s4 =	simm.s32 $0x1BF5;
	[smem:$0x3FB7] =	sst s0  }
0x18: {  	s0 =	sld [smem:$0x3F9A];
	_ =	swait.ge [sflag:s4], $0x0  }
0x19: {  	s7 =	sld [smem:$0x3F9B]  }
0x1a: {  	s8 =	sadd.s32 $0xFFFFE003, lr  }
0x1b: {  	s9 =	sadd.s32 $0xFFFFFEF7, lr;
	s5 =	simm.s32 $0xFFFFFFFF;
	p2 =	slt.u32 s8, $0xFFFFF086  }
0x1c: {  	p1 =	slt.u32 s9, $0xF7A;
	s5 =	simm.s32 @!p2 $0x0  }
0x1d: {  	s5 =	simm.s32 @p1 $0x1;
	p0 =	seq.s32 s7, s2  }
0x1e: {  	s7 =	smul.u32 @!p0 $0xF7A, s2;
	p2 =	seq.s32 @!p0 s5, $0x0  }
0x1f: {  	s9 =	smul.u32 $0xF7A, s1;
	s8 =	simm.s32 @!p0 $0x1BF5;
	p2 =	por !p2, p0  }
0x20: {  	[sflag:s8] =	ssyncset.s32 @!p0 $0xFFFFF086;
	s6 =	sadd.s32 @!p0 s3, s7;
	s7 =	simm.s32 @!p0 $0x108  }
0x21: {  	s3 =	sadd.s32 s3, s9;
	s6 =	sadd.s32 @!p0 $0x88, s6;
	s7 =	simm.s32 @p2 $0x1082  }
0x22: {  	[simem:s7], [sflag:s8] =	dma.local @!p0 [hbm:s6], $0xF7A  }
0x23: {  	s9 =	sor.u32 $0xD0000000, s2;
	s6 =	simm.s32 $0x108;
	_ =	swait.ge @!p0 [sflag:s8], $0x0  }
0x24: {  	s3 =	sadd.s32 $0x88, s3;
	s6 =	simm.s32 @!p1 $0x1082;
	[sflag:s4] =	ssyncset.s32 $0xFFFFF086  }
0x25: {  	[simem:s6], [sflag:s4] =	dma.local [hbm:s3], $0xF7A  }
0x26: {  	[smem:$0x3F9B] =	sst s1;
	(tag) =	ssettag s2;
	_ =	strace s9  }
0x27: {  	s1 =	sld [smem:$0x3FAB]  }
0x28: {  	s2 =	sld [smem:$0x3FAC]  }
0x29: {  	s4 =	sld [smem:$0x3FAE]  }
0x2a: {  	p0 =	seq.s32 s5, $0x0;
	s5 =	sld [smem:$0x3FAF]  }
0x2b: {  	s6 =	sld [smem:$0x3FB0]  }
0x2c: {  	s7 =	sld [smem:$0x3FB1]  }
0x2d: {  	s3 =	simm.s32 $0x108;
	s8 =	sld [smem:$0x3FB2]  }
0x2e: {  	s3 =	simm.s32 @!p0 $0x1082;
	s9 =	sld [smem:$0x3FB3]  }
0x2f: {  	lr =	sadd.s32 s0, s3;
	s0 =	sld [smem:$0x3FAA]  }
0x30: {  	s3 =	sld [smem:$0x3FAD]  }
0x31: {  	[smem:$0x3FB6] =	sst s10  }
0x32: {  	s10 =	sld [smem:$0x3FB4];
	_ =	sdelay $0x3  }
0x33: {  	p0 =	seq.s32 s10, $0x1;
	s10 =	sld [smem:$0x3FB6];
	_ =	sdelay $0x3  }
0x34: {  	[smem:$0x3FB6] =	sst s10  }
0x35: {  	s10 =	sld [smem:$0x3FB5];
	_ =	sdelay $0x3  }
0x36: {  	p1 =	seq.s32 s10, $0x1;
	s10 =	sld [smem:$0x3FB6];
	_ =	sdelay $0x3  }
0x37: {  	[smem:$0x3FB6] =	sst s10  }
0x38: {  	s10 =	sld [smem:$0x3FB7]  }
0x39: {  	_ = 	snop;
	(pc) =	sbr.ind lr, $3  }
0x3a: {  	_ = 	snop  }
0x3b: {  	_ = 	snop  }
0x3c: {  	p2 =	seq.s32 s10, $0x1;
	s10 =	sld [smem:$0x3FB6]  }
0x3d: {  	_ =	shalt  }
0x3e: {  	_ =	shalt  }
0x3f: {  	_ =	shalt  }
0x40: {  	_ =	shalt  }
0x41: {  	_ =	shalt  }
0x42: {  	_ =	shalt  }
0x43: {  	_ =	shalt  }
0x44: {  	_ =	shalt  }
0x45: {  	_ =	shalt  }
0x46: {  	_ =	shalt  }
0x47: {  	_ =	shalt  }
0x48: {  	_ =	shalt  }
0x49: {  	_ =	shalt  }
0x4a: {  	_ =	shalt  }
0x4b: {  	_ =	shalt  }
0x4c: {  	_ =	shalt  }
0x4d: {  	_ =	shalt  }
0x4e: {  	_ =	shalt  }
0x4f: {  	_ =	shalt  }
0x50: {  	_ =	shalt  }
0x51: {  	_ =	shalt  }
0x52: {  	_ =	shalt  }
0x53: {  	_ =	shalt  }
0x54: {  	_ =	shalt  }
0x55: {  	_ =	shalt  }
0x56: {  	_ =	shalt  }
0x57: {  	_ =	shalt  }
0x58: {  	_ =	shalt  }
0x59: {  	_ =	shalt  }
0x5a: {  	_ =	shalt  }
0x5b: {  	_ =	shalt  }
0x5c: {  	_ =	shalt  }
0x5d: {  	_ =	shalt  }
0x5e: {  	_ =	shalt  }
0x5f: {  	_ =	shalt  }
0x60: {  	_ =	shalt  }
0x61: {  	_ =	shalt  }
0x62: {  	_ =	shalt  }
0x63: {  	_ =	shalt  }
0x64: {  	_ =	shalt  }
0x65: {  	_ =	shalt  }
0x66: {  	_ =	shalt  }
0x67: {  	_ =	shalt  }
0x68: {  	_ =	shalt  }
0x69: {  	_ =	shalt  }
0x6a: {  	_ =	shalt  }
0x6b: {  	_ =	shalt  }
0x6c: {  	_ =	shalt  }
0x6d: {  	_ =	shalt  }
0x6e: {  	_ =	shalt  }
0x6f: {  	_ =	shalt  }
0x70: {  	_ =	shalt  }
0x71: {  	_ =	shalt  }
0x72: {  	_ =	shalt  }
0x73: {  	_ =	shalt  }
0x74: {  	_ =	shalt  }
0x75: {  	_ =	shalt  }
0x76: {  	_ =	shalt  }
0x77: {  	_ =	shalt  }
0x78: {  	_ =	shalt  }
0x79: {  	_ =	shalt  }
0x7a: {  	_ =	shalt  }
0x7b: {  	_ =	shalt  }
0x7c: {  	_ =	shalt  }
0x7d: {  	_ =	shalt  }
0x7e: {  	_ =	shalt  }
0x7f: {  	_ =	shalt  }
0x80: {  	_ =	shalt  }
0x81: {  	_ =	shalt  }
0x82: {  	_ =	shalt  }
0x83: {  	_ =	shalt  }
0x84: {  	_ =	shalt  }
0x85: {  	_ =	shalt  }
0x86: {  	_ =	shalt  }
0x87: {  	_ =	shalt  }
.Lfunc_end0:
.L_simem_size_0:
called_computation_lowered:
.L_overlay_start_0:
0x88: {  	s2 =	sld [smem:$0x3FD9]  }
0x89: {  	s3 =	sld [smem:$0x3FFE];
	_ =	sdelay $0x1  }
0x8a: {  	s1 =	srdreg.scid  }
0x8b: {  	s0 =	sand.u32 $0x1, s1  }
0x8c: {  	s14 =	sshll.u32 s0, $0xA;
	s2 =	sadd.s32 s3, s2  }
0x8d: {  	s2 =	sadd.s32 s2, s14  }
0x8e: {  	[smem:$0x3FC2] =	sst s2  }
0x8f: {  	_ = 	snop  }
0x90: {  	s2 =	sld [smem:$0x3FD0];
	_ =	sdelay $0x2  }
0x91: {  	s15 =	simm.s32 $0xA;
	s4 =	simm.s32 $0x10  }
0x92: {  	[smem:s4], [sflag:s15] =	dma.local [hbm:s2], $0x1  }
0x93: {  	_ =	swait.eq [sflag:s15], $0x1  }
0x94: {  	[sflag:s15] =	ssyncset.done $0x0  }
0x95: {  	[sflag:s15] =	ssyncadd.s32 $0xFFFFFFFF  }
0x96: {  	s16 =	sld [smem:$0x10];
	(tm) =	ssettm $0x1  }
0x97: {  	s17 =	sld [smem:$0x3FFB];
	_ =	sdelay $0x3  }
0x98: {  	_ =	strace s17  }
0x99: {  	s3 =	sld [smem:$0x3FFC];
	_ =	sdelay $0x3  }
0x9a: {  	_ =	strace s3  }
0x9b: {  	s3 =	sld [smem:$0x3FFD];
	_ =	sdelay $0x3  }
0x9c: {  	_ =	strace s3  }
0x9d: {  	_ =	strace $0x8FFFFFFF  }
0x9e: {  	s18 =	sld [smem:$0x3FDB];
	_ =	sdelay $0x1  }
0x9f: {  	s19 =	simm.s32 $_scs_section_size  }
0xa0: {  	s5 =	simm.s32 $_size__tile_overlayer_lowered;
	s6 =	simm.s32 $_tile_overlayer_lowered  }
0xa1: {  	s22 =	simm.s32 $0x1BFF;
	s21 =	sshll.u32 s6, $0x1;
	s3 =	sadd.s32 s19, s18  }
0xa2: {  	s7 =	simm.s32 $0x0;
	s20 =	sshll.u32 s5, $0x1;
	s5 =	sadd.s32 s21, s3  }
0xa3: {  	[timem:s7], [sflag:s22] =	dma.local [hbm:s5], s20  }
0xa4: {  	_ =	swait.ge [sflag:s22], s20  }
0xa5: {  	s4 =	ssub.s32 $0x0, s20;
	[sflag:s22] =	ssyncset.done $0x0  }
0xa6: {  	[sflag:s22] =	ssyncadd.s32 s4;
	_ =	sdelay $0x1  }
0xa7: {  	s23 =	simm.s32 $0x1B8B  }
0xa8: {  	_ =	swait.ge [sflag:s23], $0x1  }
0xa9: {  	[sflag:s23] =	ssyncset.done $0x0  }
0xaa: {  	s25 =	simm.s32 $0x1B8E;
	s24 =	sld [smem:$0x3FFE];
	[sflag:s23] =	ssyncadd.s32 $0xFFFFFFFF  }
0xab: {  	s26 =	simm.s32 $execute0_lowered;
	[smem:$0x3FD2] =	sst s25  }
0xac: {  	s5 =	sshll.u32 s26, $0x1;
	_ =	strace $0x80000046;
	[dreg:$0x1] =	wrdreg $0xFFFFFFFF  }
0xad: {  	s28 =	simm.s32 $_size_execute0_lowered;
	s3 =	sadd.s32 s3, s5;
	[dreg:$0x0] =	wrdreg $0x0  }
0xae: {  	s5 =	sshll.u32 s28, $0x1;
	[dreg:$0x2] =	wrdreg s3  }
0xaf: {  	[dreg:$0x3] =	wrdreg s5  }
0xb0: {  	[dreg:$0x4] =	wrdreg $0xC0  }
0xb1: {  	_ =	task [dreg:s7], $0x5FFFF  }
0xb2: {  	[dreg:$0x1] =	wrdreg $0xFFFFFFFF  }
0xb3: {  	[dreg:$0x0] =	wrdreg $0x60  }
0xb4: {  	[dreg:$0x2] =	wrdreg s24  }
0xb5: {  	[dreg:$0x3] =	wrdreg s16  }
0xb6: {  	[dreg:$0x4] =	wrdreg $0x9  }
0xb7: {  	_ =	task.clear_ibuf [dreg:s7], $0x5FFFF;
	_ =	strace $0x90000046  }
0xb8: {  	s29 =	simm.s32 $0x9;
	_ =	strace $0x80000048  }
0xb9: {  	_ =	swait.ge [sflag:s29], $0x1  }
0xba: {  	[sflag:s29] =	ssyncadd.s32 $0xFFFFFFFF  }
0xbb: {  	_ =	strace $0x90000048  }
0xbc: {  	_ =	sfence  }
0xbd: {  	s30 =	sld [smem:$0x0];
	_ =	sdelay $0x2  }
0xbe: {  	s31 =	sshll.u32 s1, $0xD;
	s1 =	sshrl.u32 s1, $0x2  }
0xbf: {  	s3 =	sand.u32 $0x4000, s31;
	s1 =	sadd.s32 s1, s30  }
0xc0: {  	s0 =	sor.u32 s3, s0;
	s1 =	sshll.u32 s1, $0x11  }
0xc1: {  	s0 =	sor.u32 s1, s0  }
0xc2: {  	s0 =	sadd.s32 $0x8F2B, s0  }
0xc3: {  	[sflag:s0] =	ssyncadd.remote.s32 $0x1  }
0xc4: {  	_ =	sfence.sel $0xFFFF  }
0xc5: {  	[dreg:$0x0] =	wrdreg $0xFFFFFFFF;
	(pc) =	sbr.abs _section_cstart, $3  }
0xc6: {  	[dreg:$0x1] =	wrdreg $0xFFFFFFFF  }
0xc7: {  	_ =	task.clear_ibuf [dreg:s7], $0x2FFFF;
	_ =	strace $0x9FFFFFFF  }
0xc8: {  	(tm) =	ssettm $0x7FFFFFFF  }
0xc9: {  	_ =	shalt  }
tec
execute0_lowered:
.L_overlay_start_1:
0x0: {  	(tag) =	ssettag $0x1  }
0x1: {  	s1 =	srdreg.scid  }
0x2: {  	s0 =	stileid.u32;
	s9 =	rddreg [dreg:$0x0]  }
0x3: {  	s3 =	rddreg [dreg:$0x1];
	s6 =	sand.u32 $0x1, s1;
	s30 =	sshll.u32 s0, $0x1  }
0x4: {  	s2 =	simm.s32 $0x0;
	s1 =	rddreg [dreg:$0x2];
	s7 =	sor.u32 s6, s30  }
0x5: {  	s8 =	simm.s32 $0x1;
	[smem:$0x7FF] =	sst s2;
	s4 =	smul.u32 $0xA, s7  }
0x6: {  	s5 =	sadd.s32 $0x800, s9;
	_ =	strace $0x80000047;
	s11 =	ssub.s32 $0x2, s6  }
0x7: {  	s6 =	simm.s32 $0x50;
	s4 =	sadd.s32 s3, s4;
	s3 =	simm.s32 $0x2  }
0x8: {  	[tilespmem:s2], [sflag:$0x2] =	stream.linear.gather [hbm4b:s4+s2], $0x50, $0x38;
	[tilespmem:$0x2880] =	vst v63  }
0x9: {  	s10 =	smul.u32 $0x500, s7;
	s12 =	sshrl.u32 s11, $0x1;
	_ =	swait.ge [sflag:s3], $0x50  }
0xa: {  	s7 =	simm.s32 $0x80;
	s31 =	ssub.s32 s11, s12;
	[sflag:s3] =	ssyncset.done $0x0  }
0xb: {  	s9 =	sadd.s32 s10, s9;
	s10 =	smax.u32 s31, $0x1;
	[sflag:s3] =	ssyncadd.s32 $0xFFFFFFB0  }
0xc: {  	[tilespmem:s7], [sflag:$0x1] =	stream.indirect.gather [hbm4b:s5+s6], $0x80, s2, s6, $0xb8;
	[tilespmem:$0x2880] =	vst v63  }
0xd: {  	p0 =	sne.s32 s10, $0x1;
	_ =	swait.ge [sflag:s8], $0x2800  }
.Ltmp0:
0xe: {  	[sflag:s8] =	ssyncset.done $0x0;
	(pc) =	sbr.rel @!p0 .LBB2_2-.Ltmp0, $4  }
0xf: {  	s9 =	sadd.s32 $0x28800, s9;
	[sflag:s8] =	ssyncadd.s32 $0xFFFFD800  }
0x10: {  	[hbm4b:s9+s2] =	stream.linear.scatter [tilespmem:s7], [sflag:$0x2], $0x2800, $0x38;
	[tilespmem:$0x2880] =	vst v63  }
0x11: {  	_ =	swait.ge [sflag:s3], $0x2800  }
0x12: {  	s10 =	sadd.s32 $0xFFFFFFFF, s10;
	[sflag:s3] =	ssyncset.done $0x0  }
.LBB2_1:
0x13: {  	p0 =	sne.s32 s10, $0x1;
	s10 =	sadd.s32 $0xFFFFFFFF, s10;
	[sflag:s3] =	ssyncadd.s32 $0xFFFFD800  }
0x14: {  	[tilespmem:s2], [sflag:$0x2] =	stream.linear.gather [hbm4b:s4+s2], $0x50, $0x38;
	[tilespmem:$0x2880] =	vst v63  }
0x15: {  	_ =	swait.ge [sflag:s3], $0x50  }
0x16: {  	[sflag:s3] =	ssyncset.done $0x0  }
0x17: {  	[sflag:s3] =	ssyncadd.s32 $0xFFFFFFB0  }
0x18: {  	[tilespmem:s7], [sflag:$0x1] =	stream.indirect.gather [hbm4b:s5+s6], $0x80, s2, s6, $0xb8;
	[tilespmem:$0x2880] =	vst v63  }
0x19: {  	_ =	swait.ge [sflag:s8], $0x2800  }
.Ltmp1:
0x1a: {  	[sflag:s8] =	ssyncset.done $0x0;
	(pc) =	sbr.rel @p0 .LBB2_1-.Ltmp1, $4  }
0x1b: {  	[sflag:s8] =	ssyncadd.s32 $0xFFFFD800  }
0x1c: {  	[hbm4b:s9+s2] =	stream.linear.scatter [tilespmem:s7], [sflag:$0x2], $0x2800, $0x38;
	[tilespmem:$0x2880] =	vst v63  }
0x1d: {  	_ =	swait.ge [sflag:s3], $0x2800  }
0x1e: {  	[sflag:s3] =	ssyncset.done $0x0  }
.LBB2_2:
0x1f: {  	[sflag:s3] =	ssyncadd.s32 $0xFFFFD800  }
0x20: {  	_ =	sfence.sel $0x180000  }
0x21: {  	[bflag:$0x0] =	sbarrier.arrive $0xFFFF  }
0x22: {  	p0 =	sne.s32 s0, $0x0;
	_ =	strace $0x90000047  }
0x23: {  	s0 =	sadd.s32 @!p0 $0x100000, s1;
	[bflag:$0x2] =	sbarrier.arrive $0xFFFF  }
0x24: {  	[sflag:s0] =	ssyncadd.tile.s32 @!p0 $0x1;
	_ =	shalt  }
.Lfunc_end2:
_tile_overlayer_lowered:
.L_overlay_start_2:
0x25: {  	(tag) =	ssettag $0x2  }
0x26: {  	s0 =	rddreg [dreg:$0x0];
	s2 =	stileid.u32  }
0x27: {  	s1 =	rddreg [dreg:$0x1];
	p0 =	sne.s32 s2, $0x0  }
0x28: {  	s3 =	rddreg [dreg:$0x2];
	[bflag:$0x3] =	sbarrier.arrive $0xFFFF;
	s2 =	simm.s32 @!p0 $0x1C02  }
0x29: {  	[timem:s3], [sflag:s2] =	dma.local @!p0 [hbm:s0], s1  }
0x2a: {  	s0 =	simm.s32 @!p0 $0x2  }
0x2b: {  	_ =	swait.ge @!p0 [sflag:s0], s1  }
0x2c: {  	s1 =	ssub.s32 @!p0 $0x0, s1;
	[sflag:s0] =	ssyncset.done @!p0 $0x0  }
0x2d: {  	[sflag:s0] =	ssyncadd.s32 @!p0 s1  }
0x2e: {  	[bflag:$0x3] =	sbarrier.arrive $0xFFFF  }
0x2f: {  	_ =	shalt  }

</sc_bundles>
